<compile_context>
chip_gen: v7x
topology: tpu7x:2x2x1
jax: 0.10.2.dev20260603
libtpu: 0.0.44.dev20260713+nightly
codegen_flags: <defaults>
</compile_context>

<pallas_src>
import jax
import jax.numpy as jnp
from jax.experimental import pallas as pl

_DIM = 96
_WS = 8
_KNN = 9
_HEADS = 8
_DH = _DIM // _HEADS
_N = _WS * _WS
_CP = 104


def _attn_body(x_ref, p_ref, wv_ref, ws_ref, out_ref):
    xb = x_ref[0]
    C = xb.shape[0]
    G = xb.shape[2] // _WS
    xt = jnp.stack([jnp.transpose(xb[:, i, :]) for i in range(_WS)], axis=0)
    nodes = (xt.reshape(_WS, G, _WS, C)
             .transpose(1, 0, 2, 3)
             .reshape(G, _N, C))
    na = jnp.concatenate(
        [nodes,
         jnp.full((G, _N, 1), 1.0, jnp.float32),
         jnp.zeros((G, _N, _CP - _DIM - 1), jnp.float32)], axis=2)
    flat = na.reshape(G * _N, _CP)

    v = jnp.dot(flat, wv_ref[...]).reshape(G, _N, _DIM)
    skip = jnp.dot(flat, ws_ref[...]).reshape(G, _N, _DIM)

    na_bf = na.astype(jnp.bfloat16)
    gram = jax.lax.dot_general(na_bf, na_bf, (((2,), (2,)), ((0,), (0,))),
                               preferred_element_type=jnp.float32)
    sq = jnp.sum(na * na, axis=2)
    d = sq[:, :, None] + sq[:, None, :] - 2.0 * gram
    ii = jax.lax.broadcasted_iota(jnp.int32, (G, _N, _N), 1)
    jj = jax.lax.broadcasted_iota(jnp.int32, (G, _N, _N), 2)
    d = d + jnp.where(ii == jj, jnp.float32(1e10), jnp.float32(0.0))

    neg = jnp.float32(-3e38)
    big = jnp.float32(3e38)
    dd = d
    for _ in range(_KNN):
        mn = jnp.min(dd, axis=2, keepdims=True)
        dd = jnp.where(dd == mn, big, dd)
    maskneg = jnp.where(dd == big, jnp.float32(0.0), neg)

    hmask = jnp.where(
        jax.lax.broadcasted_iota(jnp.int32, (_HEADS, 1, _DIM), 2) // _DH
        == jax.lax.broadcasted_iota(jnp.int32, (_HEADS, 1, _DIM), 0),
        jnp.float32(1.0), jnp.float32(0.0))
    out = skip
    for h in range(_HEADS):
        t = jnp.dot(flat, p_ref[h]).reshape(G, _N, _CP)
        lg = jax.lax.dot_general(t, na, (((2,), (2,)), ((0,), (0,))))
        e = jnp.exp(lg + maskneg)
        den = jnp.sum(e, axis=2, keepdims=True)
        a = e * (1.0 / (den + jnp.float32(1e-16)))
        vm = v * hmask[h][None]
        out = out + jax.lax.dot_general(a, vm, (((2,), (1,)), ((0,), (0,))))
    out_ref[...] = out


def kernel(x, Wq, bq, Wk, bk, Wv, bv, Ws, bs):
    B, C, H, W = x.shape
    nH, nW = H // _WS, W // _WS
    wB = B * nH * nW

    wq3 = Wq.reshape(C, _HEADS, _DH)
    wk3 = Wk.reshape(C, _HEADS, _DH)
    bq2 = bq.reshape(_HEADS, _DH)
    bk2 = bk.reshape(_HEADS, _DH)
    p = jnp.einsum('chd,ehd->hce', wq3, wk3,
                   precision=jax.lax.Precision.HIGHEST)
    r = jnp.einsum('chd,hd->hc', wq3, bk2,
                   precision=jax.lax.Precision.HIGHEST)
    s = jnp.einsum('chd,hd->hc', wk3, bq2,
                   precision=jax.lax.Precision.HIGHEST)
    cc = jnp.sum(bq2 * bk2, axis=1)
    top = jnp.concatenate([p, r[:, :, None]], axis=2)
    bot = jnp.concatenate([s[:, None, :], cc[:, None, None]], axis=2)
    ptil = jnp.concatenate([top, bot], axis=1)
    ptil = jnp.pad(ptil, ((0, 0), (0, _CP - C - 1), (0, _CP - C - 1)))
    ptil = ptil * jnp.float32(1.0 / (_DH ** 0.5))

    wvt = jnp.concatenate(
        [Wv, bv.reshape(1, C), jnp.zeros((_CP - C - 1, C), Wv.dtype)], axis=0)
    wst = jnp.concatenate(
        [Ws, bs.reshape(1, C), jnp.zeros((_CP - C - 1, C), Ws.dtype)], axis=0)

    out_nodes = pl.pallas_call(
        _attn_body,
        grid=(B, nH),
        in_specs=[
            pl.BlockSpec((1, C, _WS, W), lambda b, r: (b, 0, r, 0)),
            pl.BlockSpec((_HEADS, _CP, _CP), lambda b, r: (0, 0, 0)),
            pl.BlockSpec((_CP, C), lambda b, r: (0, 0)),
            pl.BlockSpec((_CP, C), lambda b, r: (0, 0)),
        ],
        out_specs=pl.BlockSpec((nW, _N, C), lambda b, r: (b * nH + r, 0, 0)),
        out_shape=jax.ShapeDtypeStruct((wB, _N, C), x.dtype),
    )(x, ptil, wvt, wst)

    out = (out_nodes.reshape(B, nH, nW, _WS, _WS, C)
           .transpose(0, 5, 1, 3, 2, 4)
           .reshape(B, C, H, W))
    return out

# --- scband reference (transcript-rebuilt; emitter-appended) ---
"""Pipeline reference for scband-window-grapher-pyg-45165876085623 (READ-ONLY COPY).

The authoritative reference and input builder live on the scoring server;
editing this copy changes nothing except your own understanding.
"""

import jax, jax.numpy as jnp
import numpy as np

DIM = 96
WS = 8
KNN = 9
HEADS = 8
DH = DIM // HEADS


def _window_partition(x, ws):
    B, C, H, W = x.shape
    x = x.reshape(B, C, H // ws, ws, W // ws, ws)
    x = x.transpose(0, 2, 4, 1, 3, 5)
    return x.reshape(-1, C, ws, ws)


def _window_reverse(x, ws, H, W):
    C = x.shape[1]
    B = x.shape[0] // ((H // ws) * (W // ws))
    x = x.reshape(B, H // ws, W // ws, C, ws, ws)
    x = x.transpose(0, 3, 1, 4, 2, 5)
    return x.reshape(B, C, H, W)


def _knn_edges(xw, k):
    # feature-space kNN inside each window (SparseKnnGraph: smallest distance, loop=False)
    wB, C, h, w = xw.shape
    n = h * w
    nodes = jax.lax.stop_gradient(xw.reshape(wB, C, n).transpose(0, 2, 1))
    sq = jnp.sum(nodes * nodes, axis=-1)
    d = sq[:, :, None] + sq[:, None, :] - 2.0 * jnp.einsum('bic,bjc->bij', nodes, nodes)
    d = d + jnp.eye(n, dtype=d.dtype) * 1e10  # exclude self-loops
    _, idx = jax.lax.top_k(-d, k)  # (wB, n, k) local neighbor ids
    offs = (jnp.arange(wB, dtype=jnp.int32) * n)[:, None, None]
    src = (idx.astype(jnp.int32) + offs).reshape(-1)
    dst = (jnp.broadcast_to(jnp.arange(n, dtype=jnp.int32)[None, :, None], idx.shape) + offs).reshape(-1)
    return src, dst


def _transf_conv(x, src, dst, Wq, bq, Wk, bk, Wv, bv, Ws, bs):
    # TransformerConv (pyg-style): per-head dot-product attention over kNN edges,
    # flow source_to_target, concat heads, root-weight skip connection.
    N = x.shape[0]
    q = (x @ Wq + bq).reshape(N, HEADS, DH)
    kk = (x @ Wk + bk).reshape(N, HEADS, DH)
    v = (x @ Wv + bv).reshape(N, HEADS, DH)
    alpha = jnp.sum(q[dst] * kk[src], axis=-1) / np.sqrt(DH)  # (E, HEADS)
    m = jax.lax.stop_gradient(jax.ops.segment_max(alpha, dst, num_segments=N))
    e = jnp.exp(alpha - m[dst])
    denom = jax.ops.segment_sum(e, dst, num_segments=N)
    a = e / (denom[dst] + 1e-16)
    out = jax.ops.segment_sum(a[:, :, None] * v[src], dst, num_segments=N)
    return out.reshape(N, HEADS * DH) + x @ Ws + bs


def _forward(x, Wq, bq, Wk, bk, Wv, bv, Ws, bs):
    B, C, H, W = x.shape
    pad_h = (-H) % WS
    pad_w = (-W) % WS
    if pad_h or pad_w:
        x = jnp.pad(x, ((0, 0), (0, 0), (0, pad_h), (0, pad_w)))
    pH, pW = x.shape[2], x.shape[3]
    xw = _window_partition(x, WS)
    wB, wC, wH, wW = xw.shape
    src, dst = _knn_edges(xw, KNN)
    nodes = xw.reshape(wB, wC, wH * wW).transpose(0, 2, 1).reshape(wB * wH * wW, wC)
    out = _transf_conv(nodes, src, dst, Wq, bq, Wk, bk, Wv, bv, Ws, bs)
    out = out.reshape(wB, wH * wW, DIM).transpose(0, 2, 1).reshape(wB, DIM, wH, wW)
    out = _window_reverse(out, WS, pH, pW)
    return out[:, :, :H, :W]


def setup_inputs(seed: int = 0):
    key = jax.random.key(seed)
    ks = jax.random.split(key, 10)
    x = jax.random.normal(ks[0], (2, DIM, 224, 224), dtype=jnp.float32)
    s = 1.0 / np.sqrt(DIM)
    def u(k, shape):
        return jax.random.uniform(k, shape, jnp.float32, -s, s)
    return {"x": x,
            "Wq": u(ks[1], (DIM, DIM)), "bq": u(ks[2], (DIM,)),
            "Wk": u(ks[3], (DIM, DIM)), "bk": u(ks[4], (DIM,)),
            "Wv": u(ks[5], (DIM, DIM)), "bv": u(ks[6], (DIM,)),
            "Ws": u(ks[7], (DIM, DIM)), "bs": u(ks[8], (DIM,))}


def reference(x, Wq, bq, Wk, bk, Wv, bv, Ws, bs):
    return _forward(x, Wq, bq, Wk, bk, Wv, bv, Ws, bs)

if __name__ == "__main__":
    import jax
    _d = setup_inputs()
    print(jax.jit(kernel)(*tuple(_d.values())))

</pallas_src>

<mosaic_0001>
module attributes {stable_mosaic.version = 14 : i64} {
  func.func @_attn_body(%arg0: i32, %arg1: i32, %arg2: memref<1x96x8x224xf32, #tpu.memory_space<vmem>>, %arg3: memref<8x104x104xf32, #tpu.memory_space<vmem>>, %arg4: memref<104x96xf32, #tpu.memory_space<vmem>>, %arg5: memref<104x96xf32, #tpu.memory_space<vmem>>, %arg6: memref<28x64x96xf32, #tpu.memory_space<vmem>>) attributes {dimension_semantics = [#tpu.dimension_semantics<arbitrary>, #tpu.dimension_semantics<arbitrary>], iteration_bounds = array<i64: 2, 28>, scalar_prefetch = 0 : i64, scratch_operands = 0 : i64, tpu.core_type = #tpu.core_type<tc>, window_params = [{transform_indices = @transform_0, window_bounds = array<i64: 1, 96, 8, 224>}, {pipeline_mode = #tpu.pipeline_mode<synchronous>, transform_indices = @transform_1, window_bounds = array<i64: 8, 104, 104>}, {pipeline_mode = #tpu.pipeline_mode<synchronous>, transform_indices = @transform_2, window_bounds = array<i64: 104, 96>}, {pipeline_mode = #tpu.pipeline_mode<synchronous>, transform_indices = @transform_3, window_bounds = array<i64: 104, 96>}, {transform_indices = @transform_4, window_bounds = array<i64: 28, 64, 96>}]} {
    %get3A = arith.constant 0 : index
    %get3A_0 = arith.constant 0 : index
    %get3A_1 = arith.constant 0 : index
    %get3A_2 = arith.constant 0 : index
    %get3A_3 = vector.load %arg2[%get3A, %get3A_0, %get3A_1, %get3A_2] : memref<1x96x8x224xf32, #tpu.memory_space<vmem>>, vector<1x96x8x224xf32>
    %get3A_4 = vector.shape_cast %get3A_3 : vector<1x96x8x224xf32> to vector<96x8x224xf32>
    %slice3A = vector.extract_strided_slice %get3A_4 {offsets = [0, 0, 0], sizes = [96, 1, 224], strides = [1, 1, 1]} : vector<96x8x224xf32> to vector<96x1x224xf32>
    %squeeze3A = vector.shape_cast %slice3A : vector<96x1x224xf32> to vector<96x224xf32>
    %transpose3A = tpu.transpose %squeeze3A, [1, 0] : vector<96x224xf32> -> vector<224x96xf32>
    %slice3A_5 = vector.extract_strided_slice %get3A_4 {offsets = [0, 1, 0], sizes = [96, 1, 224], strides = [1, 1, 1]} : vector<96x8x224xf32> to vector<96x1x224xf32>
    %squeeze3A_6 = vector.shape_cast %slice3A_5 : vector<96x1x224xf32> to vector<96x224xf32>
    %transpose3A_7 = tpu.transpose %squeeze3A_6, [1, 0] : vector<96x224xf32> -> vector<224x96xf32>
    %slice3A_8 = vector.extract_strided_slice %get3A_4 {offsets = [0, 2, 0], sizes = [96, 1, 224], strides = [1, 1, 1]} : vector<96x8x224xf32> to vector<96x1x224xf32>
    %squeeze3A_9 = vector.shape_cast %slice3A_8 : vector<96x1x224xf32> to vector<96x224xf32>
    %transpose3A_10 = tpu.transpose %squeeze3A_9, [1, 0] : vector<96x224xf32> -> vector<224x96xf32>
    %slice3A_11 = vector.extract_strided_slice %get3A_4 {offsets = [0, 3, 0], sizes = [96, 1, 224], strides = [1, 1, 1]} : vector<96x8x224xf32> to vector<96x1x224xf32>
    %squeeze3A_12 = vector.shape_cast %slice3A_11 : vector<96x1x224xf32> to vector<96x224xf32>
    %transpose3A_13 = tpu.transpose %squeeze3A_12, [1, 0] : vector<96x224xf32> -> vector<224x96xf32>
    %slice3A_14 = vector.extract_strided_slice %get3A_4 {offsets = [0, 4, 0], sizes = [96, 1, 224], strides = [1, 1, 1]} : vector<96x8x224xf32> to vector<96x1x224xf32>
    %squeeze3A_15 = vector.shape_cast %slice3A_14 : vector<96x1x224xf32> to vector<96x224xf32>
    %transpose3A_16 = tpu.transpose %squeeze3A_15, [1, 0] : vector<96x224xf32> -> vector<224x96xf32>
    %slice3A_17 = vector.extract_strided_slice %get3A_4 {offsets = [0, 5, 0], sizes = [96, 1, 224], strides = [1, 1, 1]} : vector<96x8x224xf32> to vector<96x1x224xf32>
    %squeeze3A_18 = vector.shape_cast %slice3A_17 : vector<96x1x224xf32> to vector<96x224xf32>
    %transpose3A_19 = tpu.transpose %squeeze3A_18, [1, 0] : vector<96x224xf32> -> vector<224x96xf32>
    %slice3A_20 = vector.extract_strided_slice %get3A_4 {offsets = [0, 6, 0], sizes = [96, 1, 224], strides = [1, 1, 1]} : vector<96x8x224xf32> to vector<96x1x224xf32>
    %squeeze3A_21 = vector.shape_cast %slice3A_20 : vector<96x1x224xf32> to vector<96x224xf32>
    %transpose3A_22 = tpu.transpose %squeeze3A_21, [1, 0] : vector<96x224xf32> -> vector<224x96xf32>
    %slice3A_23 = vector.extract_strided_slice %get3A_4 {offsets = [0, 7, 0], sizes = [96, 1, 224], strides = [1, 1, 1]} : vector<96x8x224xf32> to vector<96x1x224xf32>
    %squeeze3A_24 = vector.shape_cast %slice3A_23 : vector<96x1x224xf32> to vector<96x224xf32>
    %transpose3A_25 = tpu.transpose %squeeze3A_24, [1, 0] : vector<96x224xf32> -> vector<224x96xf32>
    %stack3A = vector.shape_cast %transpose3A : vector<224x96xf32> to vector<1x224x96xf32>
    %stack3A_26 = vector.shape_cast %transpose3A_7 : vector<224x96xf32> to vector<1x224x96xf32>
    %stack3A_27 = vector.shape_cast %transpose3A_10 : vector<224x96xf32> to vector<1x224x96xf32>
    %stack3A_28 = vector.shape_cast %transpose3A_13 : vector<224x96xf32> to vector<1x224x96xf32>
    %stack3A_29 = vector.shape_cast %transpose3A_16 : vector<224x96xf32> to vector<1x224x96xf32>
    %stack3A_30 = vector.shape_cast %transpose3A_19 : vector<224x96xf32> to vector<1x224x96xf32>
    %stack3A_31 = vector.shape_cast %transpose3A_22 : vector<224x96xf32> to vector<1x224x96xf32>
    %stack3A_32 = vector.shape_cast %transpose3A_25 : vector<224x96xf32> to vector<1x224x96xf32>
    %stack3A_33 = tpu.concatenate %stack3A, %stack3A_26, %stack3A_27, %stack3A_28, %stack3A_29, %stack3A_30, %stack3A_31, %stack3A_32 in 0 : vector<1x224x96xf32>, vector<1x224x96xf32>, vector<1x224x96xf32>, vector<1x224x96xf32>, vector<1x224x96xf32>, vector<1x224x96xf32>, vector<1x224x96xf32>, vector<1x224x96xf32> -> vector<8x224x96xf32>
    %reshape3A = vector.shape_cast %stack3A_33 : vector<8x224x96xf32> to vector<8x28x8x96xf32>
    %transpose3A_34 = tpu.transpose %reshape3A, [1, 0, 2, 3] : vector<8x28x8x96xf32> -> vector<28x8x8x96xf32>
    %reshape3A_35 = vector.shape_cast %transpose3A_34 : vector<28x8x8x96xf32> to vector<28x64x96xf32>
    %broadcast_in_dim3A = arith.constant 1.000000e+00 : f32
    %broadcast_in_dim3A_36 = vector.broadcast %broadcast_in_dim3A : f32 to vector<28x64x1xf32>
    %broadcast_in_dim3A_37 = arith.constant 0.000000e+00 : f32
    %broadcast_in_dim3A_38 = vector.broadcast %broadcast_in_dim3A_37 : f32 to vector<28x64x7xf32>
    %concatenate3A = tpu.concatenate %reshape3A_35, %broadcast_in_dim3A_36, %broadcast_in_dim3A_38 in 2 : vector<28x64x96xf32>, vector<28x64x1xf32>, vector<28x64x7xf32> -> vector<28x64x104xf32>
    %reshape3A_39 = vector.shape_cast %concatenate3A : vector<28x64x104xf32> to vector<1792x104xf32>
    %get3A_40 = arith.constant 0 : index
    %get3A_41 = arith.constant 0 : index
    %get3A_42 = vector.load %arg4[%get3A_40, %get3A_41] : memref<104x96xf32, #tpu.memory_space<vmem>>, vector<104x96xf32>
    %dot_general3A = arith.constant dense<0.000000e+00> : vector<1792x96xf32>
    %dot_general3A_43 = tpu.matmul %reshape3A_39, %get3A_42, %dot_general3A {dimension_numbers = #tpu.dot_dimension_numbers<[1], [0], [0], [1], [0, 0, 1, 1], [], []>, transpose_lhs_hint = false} : vector<1792x104xf32>, vector<104x96xf32>, vector<1792x96xf32> -> vector<1792x96xf32>
    %reshape3A_44 = vector.shape_cast %dot_general3A_43 : vector<1792x96xf32> to vector<28x64x96xf32>
    %get3A_45 = arith.constant 0 : index
    %get3A_46 = arith.constant 0 : index
    %get3A_47 = vector.load %arg5[%get3A_45, %get3A_46] : memref<104x96xf32, #tpu.memory_space<vmem>>, vector<104x96xf32>
    %dot_general3A_48 = arith.constant dense<0.000000e+00> : vector<1792x96xf32>
    %dot_general3A_49 = tpu.matmul %reshape3A_39, %get3A_47, %dot_general3A_48 {dimension_numbers = #tpu.dot_dimension_numbers<[1], [0], [0], [1], [0, 0, 1, 1], [], []>, transpose_lhs_hint = false} : vector<1792x104xf32>, vector<104x96xf32>, vector<1792x96xf32> -> vector<1792x96xf32>
    %reshape3A_50 = vector.shape_cast %dot_general3A_49 : vector<1792x96xf32> to vector<28x64x96xf32>
    %convert_element_type3A = arith.truncf %concatenate3A : vector<28x64x104xf32> to vector<28x64x104xbf16>
    %dot_general3A_51 = arith.constant dense<0.000000e+00> : vector<28x64x64xf32>
    %dot_general3A_52 = tpu.matmul %convert_element_type3A, %convert_element_type3A, %dot_general3A_51 {dimension_numbers = #tpu.dot_dimension_numbers<[2], [2], [1], [1], [0, 0, 0, 1, 1, 1], [0], [0]>, transpose_lhs_hint = false} : vector<28x64x104xbf16>, vector<28x64x104xbf16>, vector<28x64x64xf32> -> vector<28x64x64xf32>
    %mul3A = arith.mulf %concatenate3A, %concatenate3A : vector<28x64x104xf32>
    %reduce_sum3A = arith.constant dense<0.000000e+00> : vector<28x64xf32>
    %reduce_sum3A_53 = vector.multi_reduction <add>, %mul3A, %reduce_sum3A [2] : vector<28x64x104xf32> to vector<28x64xf32>
    %broadcast_in_dim3A_54 = vector.shape_cast %reduce_sum3A_53 : vector<28x64xf32> to vector<28x64x1xf32>
    %broadcast_in_dim3A_55 = vector.shape_cast %reduce_sum3A_53 : vector<28x64xf32> to vector<28x1x64xf32>
    %add3A = vector.broadcast %broadcast_in_dim3A_54 : vector<28x64x1xf32> to vector<28x64x64xf32>
    %add3A_56 = vector.broadcast %broadcast_in_dim3A_55 : vector<28x1x64xf32> to vector<28x64x64xf32>
    %add3A_57 = arith.addf %add3A, %add3A_56 : vector<28x64x64xf32>
    %mul3A_58 = arith.constant 2.000000e+00 : f32
    %mul3A_59 = vector.broadcast %mul3A_58 : f32 to vector<28x64x64xf32>
    %mul3A_60 = arith.mulf %mul3A_59, %dot_general3A_52 : vector<28x64x64xf32>
    %sub3A = arith.subf %add3A_57, %mul3A_60 : vector<28x64x64xf32>
    %iota3A = tpu.iota {dimensions = array<i32: 1>} : vector<28x64x64xi32>
    %iota3A_61 = tpu.iota {dimensions = array<i32: 2>} : vector<28x64x64xi32>
    %eq3A = arith.cmpi eq, %iota3A, %iota3A_61 : vector<28x64x64xi32>
    %jit3A = arith.constant 1.000000e+10 : f32
    %jit3A_62 = arith.constant 0.000000e+00 : f32
    %broadcast_in_dim3A_63 = vector.broadcast %jit3A : f32 to vector<28x64x64xf32>
    %broadcast_in_dim3A_64 = vector.broadcast %jit3A_62 : f32 to vector<28x64x64xf32>
    %select_n3A = arith.select %eq3A, %broadcast_in_dim3A_63, %broadcast_in_dim3A_64 : vector<28x64x64xi1>, vector<28x64x64xf32>
    %add3A_65 = arith.addf %sub3A, %select_n3A : vector<28x64x64xf32>
    %reduce_min3A = arith.constant dense<0x7F800000> : vector<28x64xf32>
    %reduce_min3A_66 = vector.multi_reduction <minimumf>, %add3A_65, %reduce_min3A [2] : vector<28x64x64xf32> to vector<28x64xf32>
    %broadcast_in_dim3A_67 = vector.shape_cast %reduce_min3A_66 : vector<28x64xf32> to vector<28x64x1xf32>
    %eq3A_68 = vector.broadcast %broadcast_in_dim3A_67 : vector<28x64x1xf32> to vector<28x64x64xf32>
    %eq3A_69 = arith.cmpf oeq, %add3A_65, %eq3A_68 : vector<28x64x64xf32>
    %jit3A_70 = arith.constant 3.000000e+38 : f32
    %broadcast_in_dim3A_71 = vector.broadcast %jit3A_70 : f32 to vector<28x64x64xf32>
    %select_n3A_72 = arith.select %eq3A_69, %broadcast_in_dim3A_71, %add3A_65 : vector<28x64x64xi1>, vector<28x64x64xf32>
    %reduce_min3A_73 = arith.constant dense<0x7F800000> : vector<28x64xf32>
    %reduce_min3A_74 = vector.multi_reduction <minimumf>, %select_n3A_72, %reduce_min3A_73 [2] : vector<28x64x64xf32> to vector<28x64xf32>
    %broadcast_in_dim3A_75 = vector.shape_cast %reduce_min3A_74 : vector<28x64xf32> to vector<28x64x1xf32>
    %eq3A_76 = vector.broadcast %broadcast_in_dim3A_75 : vector<28x64x1xf32> to vector<28x64x64xf32>
    %eq3A_77 = arith.cmpf oeq, %select_n3A_72, %eq3A_76 : vector<28x64x64xf32>
    %jit3A_78 = arith.constant 3.000000e+38 : f32
    %broadcast_in_dim3A_79 = vector.broadcast %jit3A_78 : f32 to vector<28x64x64xf32>
    %select_n3A_80 = arith.select %eq3A_77, %broadcast_in_dim3A_79, %select_n3A_72 : vector<28x64x64xi1>, vector<28x64x64xf32>
    %reduce_min3A_81 = arith.constant dense<0x7F800000> : vector<28x64xf32>
    %reduce_min3A_82 = vector.multi_reduction <minimumf>, %select_n3A_80, %reduce_min3A_81 [2] : vector<28x64x64xf32> to vector<28x64xf32>
    %broadcast_in_dim3A_83 = vector.shape_cast %reduce_min3A_82 : vector<28x64xf32> to vector<28x64x1xf32>
    %eq3A_84 = vector.broadcast %broadcast_in_dim3A_83 : vector<28x64x1xf32> to vector<28x64x64xf32>
    %eq3A_85 = arith.cmpf oeq, %select_n3A_80, %eq3A_84 : vector<28x64x64xf32>
    %jit3A_86 = arith.constant 3.000000e+38 : f32
    %broadcast_in_dim3A_87 = vector.broadcast %jit3A_86 : f32 to vector<28x64x64xf32>
    %select_n3A_88 = arith.select %eq3A_85, %broadcast_in_dim3A_87, %select_n3A_80 : vector<28x64x64xi1>, vector<28x64x64xf32>
    %reduce_min3A_89 = arith.constant dense<0x7F800000> : vector<28x64xf32>
    %reduce_min3A_90 = vector.multi_reduction <minimumf>, %select_n3A_88, %reduce_min3A_89 [2] : vector<28x64x64xf32> to vector<28x64xf32>
    %broadcast_in_dim3A_91 = vector.shape_cast %reduce_min3A_90 : vector<28x64xf32> to vector<28x64x1xf32>
    %eq3A_92 = vector.broadcast %broadcast_in_dim3A_91 : vector<28x64x1xf32> to vector<28x64x64xf32>
    %eq3A_93 = arith.cmpf oeq, %select_n3A_88, %eq3A_92 : vector<28x64x64xf32>
    %jit3A_94 = arith.constant 3.000000e+38 : f32
    %broadcast_in_dim3A_95 = vector.broadcast %jit3A_94 : f32 to vector<28x64x64xf32>
    %select_n3A_96 = arith.select %eq3A_93, %broadcast_in_dim3A_95, %select_n3A_88 : vector<28x64x64xi1>, vector<28x64x64xf32>
    %reduce_min3A_97 = arith.constant dense<0x7F800000> : vector<28x64xf32>
    %reduce_min3A_98 = vector.multi_reduction <minimumf>, %select_n3A_96, %reduce_min3A_97 [2] : vector<28x64x64xf32> to vector<28x64xf32>
    %broadcast_in_dim3A_99 = vector.shape_cast %reduce_min3A_98 : vector<28x64xf32> to vector<28x64x1xf32>
    %eq3A_100 = vector.broadcast %broadcast_in_dim3A_99 : vector<28x64x1xf32> to vector<28x64x64xf32>
    %eq3A_101 = arith.cmpf oeq, %select_n3A_96, %eq3A_100 : vector<28x64x64xf32>
    %jit3A_102 = arith.constant 3.000000e+38 : f32
    %broadcast_in_dim3A_103 = vector.broadcast %jit3A_102 : f32 to vector<28x64x64xf32>
    %select_n3A_104 = arith.select %eq3A_101, %broadcast_in_dim3A_103, %select_n3A_96 : vector<28x64x64xi1>, vector<28x64x64xf32>
    %reduce_min3A_105 = arith.constant dense<0x7F800000> : vector<28x64xf32>
    %reduce_min3A_106 = vector.multi_reduction <minimumf>, %select_n3A_104, %reduce_min3A_105 [2] : vector<28x64x64xf32> to vector<28x64xf32>
    %broadcast_in_dim3A_107 = vector.shape_cast %reduce_min3A_106 : vector<28x64xf32> to vector<28x64x1xf32>
    %eq3A_108 = vector.broadcast %broadcast_in_dim3A_107 : vector<28x64x1xf32> to vector<28x64x64xf32>
    %eq3A_109 = arith.cmpf oeq, %select_n3A_104, %eq3A_108 : vector<28x64x64xf32>
    %jit3A_110 = arith.constant 3.000000e+38 : f32
    %broadcast_in_dim3A_111 = vector.broadcast %jit3A_110 : f32 to vector<28x64x64xf32>
    %select_n3A_112 = arith.select %eq3A_109, %broadcast_in_dim3A_111, %select_n3A_104 : vector<28x64x64xi1>, vector<28x64x64xf32>
    %reduce_min3A_113 = arith.constant dense<0x7F800000> : vector<28x64xf32>
    %reduce_min3A_114 = vector.multi_reduction <minimumf>, %select_n3A_112, %reduce_min3A_113 [2] : vector<28x64x64xf32> to vector<28x64xf32>
    %broadcast_in_dim3A_115 = vector.shape_cast %reduce_min3A_114 : vector<28x64xf32> to vector<28x64x1xf32>
    %eq3A_116 = vector.broadcast %broadcast_in_dim3A_115 : vector<28x64x1xf32> to vector<28x64x64xf32>
    %eq3A_117 = arith.cmpf oeq, %select_n3A_112, %eq3A_116 : vector<28x64x64xf32>
    %jit3A_118 = arith.constant 3.000000e+38 : f32
    %broadcast_in_dim3A_119 = vector.broadcast %jit3A_118 : f32 to vector<28x64x64xf32>
    %select_n3A_120 = arith.select %eq3A_117, %broadcast_in_dim3A_119, %select_n3A_112 : vector<28x64x64xi1>, vector<28x64x64xf32>
    %reduce_min3A_121 = arith.constant dense<0x7F800000> : vector<28x64xf32>
    %reduce_min3A_122 = vector.multi_reduction <minimumf>, %select_n3A_120, %reduce_min3A_121 [2] : vector<28x64x64xf32> to vector<28x64xf32>
    %broadcast_in_dim3A_123 = vector.shape_cast %reduce_min3A_122 : vector<28x64xf32> to vector<28x64x1xf32>
    %eq3A_124 = vector.broadcast %broadcast_in_dim3A_123 : vector<28x64x1xf32> to vector<28x64x64xf32>
    %eq3A_125 = arith.cmpf oeq, %select_n3A_120, %eq3A_124 : vector<28x64x64xf32>
    %jit3A_126 = arith.constant 3.000000e+38 : f32
    %broadcast_in_dim3A_127 = vector.broadcast %jit3A_126 : f32 to vector<28x64x64xf32>
    %select_n3A_128 = arith.select %eq3A_125, %broadcast_in_dim3A_127, %select_n3A_120 : vector<28x64x64xi1>, vector<28x64x64xf32>
    %reduce_min3A_129 = arith.constant dense<0x7F800000> : vector<28x64xf32>
    %reduce_min3A_130 = vector.multi_reduction <minimumf>, %select_n3A_128, %reduce_min3A_129 [2] : vector<28x64x64xf32> to vector<28x64xf32>
    %broadcast_in_dim3A_131 = vector.shape_cast %reduce_min3A_130 : vector<28x64xf32> to vector<28x64x1xf32>
    %eq3A_132 = vector.broadcast %broadcast_in_dim3A_131 : vector<28x64x1xf32> to vector<28x64x64xf32>
    %eq3A_133 = arith.cmpf oeq, %select_n3A_128, %eq3A_132 : vector<28x64x64xf32>
    %jit3A_134 = arith.constant 3.000000e+38 : f32
    %broadcast_in_dim3A_135 = vector.broadcast %jit3A_134 : f32 to vector<28x64x64xf32>
    %select_n3A_136 = arith.select %eq3A_133, %broadcast_in_dim3A_135, %select_n3A_128 : vector<28x64x64xi1>, vector<28x64x64xf32>
    %eq3A_137 = arith.constant 3.000000e+38 : f32
    %eq3A_138 = vector.broadcast %eq3A_137 : f32 to vector<28x64x64xf32>
    %eq3A_139 = arith.cmpf oeq, %select_n3A_136, %eq3A_138 : vector<28x64x64xf32>
    %jit3A_140 = arith.constant 0.000000e+00 : f32
    %jit3A_141 = arith.constant -3.000000e+38 : f32
    %broadcast_in_dim3A_142 = vector.broadcast %jit3A_140 : f32 to vector<28x64x64xf32>
    %broadcast_in_dim3A_143 = vector.broadcast %jit3A_141 : f32 to vector<28x64x64xf32>
    %select_n3A_144 = arith.select %eq3A_139, %broadcast_in_dim3A_142, %broadcast_in_dim3A_143 : vector<28x64x64xi1>, vector<28x64x64xf32>
    %iota3A_145 = tpu.iota {dimensions = array<i32: 2>} : vector<8x1x96xi32>
    %jit3A_146 = arith.constant 12 : i32
    %div3A = vector.broadcast %jit3A_146 : i32 to vector<8x1x96xi32>
    %div3A_147 = arith.divsi %iota3A_145, %div3A : vector<8x1x96xi32>
    %sign3A = arith.constant 0 : i32
    %sign3A_148 = vector.broadcast %sign3A : i32 to vector<8x1x96xi32>
    %sign3A_149 = arith.cmpi sgt, %iota3A_145, %sign3A_148 : vector<8x1x96xi32>
    %sign3A_150 = arith.extui %sign3A_149 : vector<8x1x96xi1> to vector<8x1x96xi32>
    %sign3A_151 = arith.constant 0 : i32
    %sign3A_152 = vector.broadcast %sign3A_151 : i32 to vector<8x1x96xi32>
    %sign3A_153 = arith.cmpi slt, %iota3A_145, %sign3A_152 : vector<8x1x96xi32>
    %sign3A_154 = arith.extui %sign3A_153 : vector<8x1x96xi1> to vector<8x1x96xi32>
    %sign3A_155 = arith.subi %sign3A_150, %sign3A_154 : vector<8x1x96xi32>
    %sign3A_156 = arith.constant 0 : i32
    %sign3A_157 = arith.cmpi sgt, %jit3A_146, %sign3A_156 : i32
    %sign3A_158 = arith.extui %sign3A_157 : i1 to i32
    %sign3A_159 = arith.constant 0 : i32
    %sign3A_160 = arith.cmpi slt, %jit3A_146, %sign3A_159 : i32
    %sign3A_161 = arith.extui %sign3A_160 : i1 to i32
    %sign3A_162 = arith.subi %sign3A_158, %sign3A_161 : i32
    %ne3A = vector.broadcast %sign3A_162 : i32 to vector<8x1x96xi32>
    %ne3A_163 = arith.cmpi ne, %sign3A_155, %ne3A : vector<8x1x96xi32>
    %rem3A = vector.broadcast %jit3A_146 : i32 to vector<8x1x96xi32>
    %rem3A_164 = arith.remsi %iota3A_145, %rem3A : vector<8x1x96xi32>
    %ne3A_165 = arith.constant 0 : i32
    %ne3A_166 = vector.broadcast %ne3A_165 : i32 to vector<8x1x96xi32>
    %ne3A_167 = arith.cmpi ne, %rem3A_164, %ne3A_166 : vector<8x1x96xi32>
    %and3A = arith.andi %ne3A_163, %ne3A_167 : vector<8x1x96xi1>
    %sub3A_168 = arith.constant 1 : i32
    %sub3A_169 = vector.broadcast %sub3A_168 : i32 to vector<8x1x96xi32>
    %sub3A_170 = arith.subi %div3A_147, %sub3A_169 : vector<8x1x96xi32>
    %select_n3A_171 = arith.select %and3A, %sub3A_170, %div3A_147 : vector<8x1x96xi1>, vector<8x1x96xi32>
    %iota3A_172 = tpu.iota {dimensions = array<i32: 0>} : vector<8x1x96xi32>
    %eq3A_173 = arith.cmpi eq, %select_n3A_171, %iota3A_172 : vector<8x1x96xi32>
    %jit3A_174 = arith.constant 1.000000e+00 : f32
    %jit3A_175 = arith.constant 0.000000e+00 : f32
    %broadcast_in_dim3A_176 = vector.broadcast %jit3A_174 : f32 to vector<8x1x96xf32>
    %broadcast_in_dim3A_177 = vector.broadcast %jit3A_175 : f32 to vector<8x1x96xf32>
    %select_n3A_178 = arith.select %eq3A_173, %broadcast_in_dim3A_176, %broadcast_in_dim3A_177 : vector<8x1x96xi1>, vector<8x1x96xf32>
    %get3A_179 = arith.constant 0 : index
    %get3A_180 = arith.constant 0 : index
    %get3A_181 = arith.constant 0 : index
    %get3A_182 = vector.load %arg3[%get3A_179, %get3A_180, %get3A_181] : memref<8x104x104xf32, #tpu.memory_space<vmem>>, vector<1x104x104xf32>
    %get3A_183 = vector.shape_cast %get3A_182 : vector<1x104x104xf32> to vector<104x104xf32>
    %dot_general3A_184 = arith.constant dense<0.000000e+00> : vector<1792x104xf32>
    %dot_general3A_185 = tpu.matmul %reshape3A_39, %get3A_183, %dot_general3A_184 {dimension_numbers = #tpu.dot_dimension_numbers<[1], [0], [0], [1], [0, 0, 1, 1], [], []>, transpose_lhs_hint = false} : vector<1792x104xf32>, vector<104x104xf32>, vector<1792x104xf32> -> vector<1792x104xf32>
    %reshape3A_186 = vector.shape_cast %dot_general3A_185 : vector<1792x104xf32> to vector<28x64x104xf32>
    %dot_general3A_187 = arith.constant dense<0.000000e+00> : vector<28x64x64xf32>
    %dot_general3A_188 = tpu.matmul %reshape3A_186, %concatenate3A, %dot_general3A_187 {dimension_numbers = #tpu.dot_dimension_numbers<[2], [2], [1], [1], [0, 0, 0, 1, 1, 1], [0], [0]>, transpose_lhs_hint = false} : vector<28x64x104xf32>, vector<28x64x104xf32>, vector<28x64x64xf32> -> vector<28x64x64xf32>
    %add3A_189 = arith.addf %dot_general3A_188, %select_n3A_144 : vector<28x64x64xf32>
    %exp3A = math.exp %add3A_189 : vector<28x64x64xf32>
    %reduce_sum3A_190 = arith.constant dense<0.000000e+00> : vector<28x64xf32>
    %reduce_sum3A_191 = vector.multi_reduction <add>, %exp3A, %reduce_sum3A_190 [2] : vector<28x64x64xf32> to vector<28x64xf32>
    %broadcast_in_dim3A_192 = vector.shape_cast %reduce_sum3A_191 : vector<28x64xf32> to vector<28x64x1xf32>
    %add3A_193 = arith.constant 1.000000e-16 : f32
    %add3A_194 = vector.broadcast %add3A_193 : f32 to vector<28x64x1xf32>
    %add3A_195 = arith.addf %broadcast_in_dim3A_192, %add3A_194 : vector<28x64x1xf32>
    %div3A_196 = arith.constant 1.000000e+00 : f32
    %div3A_197 = vector.broadcast %div3A_196 : f32 to vector<28x64x1xf32>
    %div3A_198 = arith.divf %div3A_197, %add3A_195 : vector<28x64x1xf32>
    %mul3A_199 = vector.broadcast %div3A_198 : vector<28x64x1xf32> to vector<28x64x64xf32>
    %mul3A_200 = arith.mulf %exp3A, %mul3A_199 : vector<28x64x64xf32>
    %slice3A_201 = vector.extract_strided_slice %select_n3A_178 {offsets = [0, 0, 0], sizes = [1, 1, 96], strides = [1, 1, 1]} : vector<8x1x96xf32> to vector<1x1x96xf32>
    %squeeze3A_202 = vector.shape_cast %slice3A_201 : vector<1x1x96xf32> to vector<1x96xf32>
    %broadcast_in_dim3A_203 = vector.shape_cast %squeeze3A_202 : vector<1x96xf32> to vector<1x1x96xf32>
    %mul3A_204 = vector.broadcast %broadcast_in_dim3A_203 : vector<1x1x96xf32> to vector<28x64x96xf32>
    %mul3A_205 = arith.mulf %reshape3A_44, %mul3A_204 : vector<28x64x96xf32>
    %dot_general3A_206 = arith.constant dense<0.000000e+00> : vector<28x64x96xf32>
    %dot_general3A_207 = tpu.matmul %mul3A_200, %mul3A_205, %dot_general3A_206 {dimension_numbers = #tpu.dot_dimension_numbers<[2], [1], [1], [2], [0, 0, 0, 1, 1, 2], [0], [0]>, transpose_lhs_hint = false} : vector<28x64x64xf32>, vector<28x64x96xf32>, vector<28x64x96xf32> -> vector<28x64x96xf32>
    %add3A_208 = arith.addf %reshape3A_50, %dot_general3A_207 : vector<28x64x96xf32>
    %get3A_209 = arith.constant 1 : index
    %get3A_210 = arith.constant 0 : index
    %get3A_211 = arith.constant 0 : index
    %get3A_212 = vector.load %arg3[%get3A_209, %get3A_210, %get3A_211] : memref<8x104x104xf32, #tpu.memory_space<vmem>>, vector<1x104x104xf32>
    %get3A_213 = vector.shape_cast %get3A_212 : vector<1x104x104xf32> to vector<104x104xf32>
    %dot_general3A_214 = arith.constant dense<0.000000e+00> : vector<1792x104xf32>
    %dot_general3A_215 = tpu.matmul %reshape3A_39, %get3A_213, %dot_general3A_214 {dimension_numbers = #tpu.dot_dimension_numbers<[1], [0], [0], [1], [0, 0, 1, 1], [], []>, transpose_lhs_hint = false} : vector<1792x104xf32>, vector<104x104xf32>, vector<1792x104xf32> -> vector<1792x104xf32>
    %reshape3A_216 = vector.shape_cast %dot_general3A_215 : vector<1792x104xf32> to vector<28x64x104xf32>
    %dot_general3A_217 = arith.constant dense<0.000000e+00> : vector<28x64x64xf32>
    %dot_general3A_218 = tpu.matmul %reshape3A_216, %concatenate3A, %dot_general3A_217 {dimension_numbers = #tpu.dot_dimension_numbers<[2], [2], [1], [1], [0, 0, 0, 1, 1, 1], [0], [0]>, transpose_lhs_hint = false} : vector<28x64x104xf32>, vector<28x64x104xf32>, vector<28x64x64xf32> -> vector<28x64x64xf32>
    %add3A_219 = arith.addf %dot_general3A_218, %select_n3A_144 : vector<28x64x64xf32>
    %exp3A_220 = math.exp %add3A_219 : vector<28x64x64xf32>
    %reduce_sum3A_221 = arith.constant dense<0.000000e+00> : vector<28x64xf32>
    %reduce_sum3A_222 = vector.multi_reduction <add>, %exp3A_220, %reduce_sum3A_221 [2] : vector<28x64x64xf32> to vector<28x64xf32>
    %broadcast_in_dim3A_223 = vector.shape_cast %reduce_sum3A_222 : vector<28x64xf32> to vector<28x64x1xf32>
    %add3A_224 = arith.constant 1.000000e-16 : f32
    %add3A_225 = vector.broadcast %add3A_224 : f32 to vector<28x64x1xf32>
    %add3A_226 = arith.addf %broadcast_in_dim3A_223, %add3A_225 : vector<28x64x1xf32>
    %div3A_227 = arith.constant 1.000000e+00 : f32
    %div3A_228 = vector.broadcast %div3A_227 : f32 to vector<28x64x1xf32>
    %div3A_229 = arith.divf %div3A_228, %add3A_226 : vector<28x64x1xf32>
    %mul3A_230 = vector.broadcast %div3A_229 : vector<28x64x1xf32> to vector<28x64x64xf32>
    %mul3A_231 = arith.mulf %exp3A_220, %mul3A_230 : vector<28x64x64xf32>
    %slice3A_232 = vector.extract_strided_slice %select_n3A_178 {offsets = [1, 0, 0], sizes = [1, 1, 96], strides = [1, 1, 1]} : vector<8x1x96xf32> to vector<1x1x96xf32>
    %squeeze3A_233 = vector.shape_cast %slice3A_232 : vector<1x1x96xf32> to vector<1x96xf32>
    %broadcast_in_dim3A_234 = vector.shape_cast %squeeze3A_233 : vector<1x96xf32> to vector<1x1x96xf32>
    %mul3A_235 = vector.broadcast %broadcast_in_dim3A_234 : vector<1x1x96xf32> to vector<28x64x96xf32>
    %mul3A_236 = arith.mulf %reshape3A_44, %mul3A_235 : vector<28x64x96xf32>
    %dot_general3A_237 = arith.constant dense<0.000000e+00> : vector<28x64x96xf32>
    %dot_general3A_238 = tpu.matmul %mul3A_231, %mul3A_236, %dot_general3A_237 {dimension_numbers = #tpu.dot_dimension_numbers<[2], [1], [1], [2], [0, 0, 0, 1, 1, 2], [0], [0]>, transpose_lhs_hint = false} : vector<28x64x64xf32>, vector<28x64x96xf32>, vector<28x64x96xf32> -> vector<28x64x96xf32>
    %add3A_239 = arith.addf %add3A_208, %dot_general3A_238 : vector<28x64x96xf32>
    %get3A_240 = arith.constant 2 : index
    %get3A_241 = arith.constant 0 : index
    %get3A_242 = arith.constant 0 : index
    %get3A_243 = vector.load %arg3[%get3A_240, %get3A_241, %get3A_242] : memref<8x104x104xf32, #tpu.memory_space<vmem>>, vector<1x104x104xf32>
    %get3A_244 = vector.shape_cast %get3A_243 : vector<1x104x104xf32> to vector<104x104xf32>
    %dot_general3A_245 = arith.constant dense<0.000000e+00> : vector<1792x104xf32>
    %dot_general3A_246 = tpu.matmul %reshape3A_39, %get3A_244, %dot_general3A_245 {dimension_numbers = #tpu.dot_dimension_numbers<[1], [0], [0], [1], [0, 0, 1, 1], [], []>, transpose_lhs_hint = false} : vector<1792x104xf32>, vector<104x104xf32>, vector<1792x104xf32> -> vector<1792x104xf32>
    %reshape3A_247 = vector.shape_cast %dot_general3A_246 : vector<1792x104xf32> to vector<28x64x104xf32>
    %dot_general3A_248 = arith.constant dense<0.000000e+00> : vector<28x64x64xf32>
    %dot_general3A_249 = tpu.matmul %reshape3A_247, %concatenate3A, %dot_general3A_248 {dimension_numbers = #tpu.dot_dimension_numbers<[2], [2], [1], [1], [0, 0, 0, 1, 1, 1], [0], [0]>, transpose_lhs_hint = false} : vector<28x64x104xf32>, vector<28x64x104xf32>, vector<28x64x64xf32> -> vector<28x64x64xf32>
    %add3A_250 = arith.addf %dot_general3A_249, %select_n3A_144 : vector<28x64x64xf32>
    %exp3A_251 = math.exp %add3A_250 : vector<28x64x64xf32>
    %reduce_sum3A_252 = arith.constant dense<0.000000e+00> : vector<28x64xf32>
    %reduce_sum3A_253 = vector.multi_reduction <add>, %exp3A_251, %reduce_sum3A_252 [2] : vector<28x64x64xf32> to vector<28x64xf32>
    %broadcast_in_dim3A_254 = vector.shape_cast %reduce_sum3A_253 : vector<28x64xf32> to vector<28x64x1xf32>
    %add3A_255 = arith.constant 1.000000e-16 : f32
    %add3A_256 = vector.broadcast %add3A_255 : f32 to vector<28x64x1xf32>
    %add3A_257 = arith.addf %broadcast_in_dim3A_254, %add3A_256 : vector<28x64x1xf32>
    %div3A_258 = arith.constant 1.000000e+00 : f32
    %div3A_259 = vector.broadcast %div3A_258 : f32 to vector<28x64x1xf32>
    %div3A_260 = arith.divf %div3A_259, %add3A_257 : vector<28x64x1xf32>
    %mul3A_261 = vector.broadcast %div3A_260 : vector<28x64x1xf32> to vector<28x64x64xf32>
    %mul3A_262 = arith.mulf %exp3A_251, %mul3A_261 : vector<28x64x64xf32>
    %slice3A_263 = vector.extract_strided_slice %select_n3A_178 {offsets = [2, 0, 0], sizes = [1, 1, 96], strides = [1, 1, 1]} : vector<8x1x96xf32> to vector<1x1x96xf32>
    %squeeze3A_264 = vector.shape_cast %slice3A_263 : vector<1x1x96xf32> to vector<1x96xf32>
    %broadcast_in_dim3A_265 = vector.shape_cast %squeeze3A_264 : vector<1x96xf32> to vector<1x1x96xf32>
    %mul3A_266 = vector.broadcast %broadcast_in_dim3A_265 : vector<1x1x96xf32> to vector<28x64x96xf32>
    %mul3A_267 = arith.mulf %reshape3A_44, %mul3A_266 : vector<28x64x96xf32>
    %dot_general3A_268 = arith.constant dense<0.000000e+00> : vector<28x64x96xf32>
    %dot_general3A_269 = tpu.matmul %mul3A_262, %mul3A_267, %dot_general3A_268 {dimension_numbers = #tpu.dot_dimension_numbers<[2], [1], [1], [2], [0, 0, 0, 1, 1, 2], [0], [0]>, transpose_lhs_hint = false} : vector<28x64x64xf32>, vector<28x64x96xf32>, vector<28x64x96xf32> -> vector<28x64x96xf32>
    %add3A_270 = arith.addf %add3A_239, %dot_general3A_269 : vector<28x64x96xf32>
    %get3A_271 = arith.constant 3 : index
    %get3A_272 = arith.constant 0 : index
    %get3A_273 = arith.constant 0 : index
    %get3A_274 = vector.load %arg3[%get3A_271, %get3A_272, %get3A_273] : memref<8x104x104xf32, #tpu.memory_space<vmem>>, vector<1x104x104xf32>
    %get3A_275 = vector.shape_cast %get3A_274 : vector<1x104x104xf32> to vector<104x104xf32>
    %dot_general3A_276 = arith.constant dense<0.000000e+00> : vector<1792x104xf32>
    %dot_general3A_277 = tpu.matmul %reshape3A_39, %get3A_275, %dot_general3A_276 {dimension_numbers = #tpu.dot_dimension_numbers<[1], [0], [0], [1], [0, 0, 1, 1], [], []>, transpose_lhs_hint = false} : vector<1792x104xf32>, vector<104x104xf32>, vector<1792x104xf32> -> vector<1792x104xf32>
    %reshape3A_278 = vector.shape_cast %dot_general3A_277 : vector<1792x104xf32> to vector<28x64x104xf32>
    %dot_general3A_279 = arith.constant dense<0.000000e+00> : vector<28x64x64xf32>
    %dot_general3A_280 = tpu.matmul %reshape3A_278, %concatenate3A, %dot_general3A_279 {dimension_numbers = #tpu.dot_dimension_numbers<[2], [2], [1], [1], [0, 0, 0, 1, 1, 1], [0], [0]>, transpose_lhs_hint = false} : vector<28x64x104xf32>, vector<28x64x104xf32>, vector<28x64x64xf32> -> vector<28x64x64xf32>
    %add3A_281 = arith.addf %dot_general3A_280, %select_n3A_144 : vector<28x64x64xf32>
    %exp3A_282 = math.exp %add3A_281 : vector<28x64x64xf32>
    %reduce_sum3A_283 = arith.constant dense<0.000000e+00> : vector<28x64xf32>
    %reduce_sum3A_284 = vector.multi_reduction <add>, %exp3A_282, %reduce_sum3A_283 [2] : vector<28x64x64xf32> to vector<28x64xf32>
    %broadcast_in_dim3A_285 = vector.shape_cast %reduce_sum3A_284 : vector<28x64xf32> to vector<28x64x1xf32>
    %add3A_286 = arith.constant 1.000000e-16 : f32
    %add3A_287 = vector.broadcast %add3A_286 : f32 to vector<28x64x1xf32>
    %add3A_288 = arith.addf %broadcast_in_dim3A_285, %add3A_287 : vector<28x64x1xf32>
    %div3A_289 = arith.constant 1.000000e+00 : f32
    %div3A_290 = vector.broadcast %div3A_289 : f32 to vector<28x64x1xf32>
    %div3A_291 = arith.divf %div3A_290, %add3A_288 : vector<28x64x1xf32>
    %mul3A_292 = vector.broadcast %div3A_291 : vector<28x64x1xf32> to vector<28x64x64xf32>
    %mul3A_293 = arith.mulf %exp3A_282, %mul3A_292 : vector<28x64x64xf32>
    %slice3A_294 = vector.extract_strided_slice %select_n3A_178 {offsets = [3, 0, 0], sizes = [1, 1, 96], strides = [1, 1, 1]} : vector<8x1x96xf32> to vector<1x1x96xf32>
    %squeeze3A_295 = vector.shape_cast %slice3A_294 : vector<1x1x96xf32> to vector<1x96xf32>
    %broadcast_in_dim3A_296 = vector.shape_cast %squeeze3A_295 : vector<1x96xf32> to vector<1x1x96xf32>
    %mul3A_297 = vector.broadcast %broadcast_in_dim3A_296 : vector<1x1x96xf32> to vector<28x64x96xf32>
    %mul3A_298 = arith.mulf %reshape3A_44, %mul3A_297 : vector<28x64x96xf32>
    %dot_general3A_299 = arith.constant dense<0.000000e+00> : vector<28x64x96xf32>
    %dot_general3A_300 = tpu.matmul %mul3A_293, %mul3A_298, %dot_general3A_299 {dimension_numbers = #tpu.dot_dimension_numbers<[2], [1], [1], [2], [0, 0, 0, 1, 1, 2], [0], [0]>, transpose_lhs_hint = false} : vector<28x64x64xf32>, vector<28x64x96xf32>, vector<28x64x96xf32> -> vector<28x64x96xf32>
    %add3A_301 = arith.addf %add3A_270, %dot_general3A_300 : vector<28x64x96xf32>
    %get3A_302 = arith.constant 4 : index
    %get3A_303 = arith.constant 0 : index
    %get3A_304 = arith.constant 0 : index
    %get3A_305 = vector.load %arg3[%get3A_302, %get3A_303, %get3A_304] : memref<8x104x104xf32, #tpu.memory_space<vmem>>, vector<1x104x104xf32>
    %get3A_306 = vector.shape_cast %get3A_305 : vector<1x104x104xf32> to vector<104x104xf32>
    %dot_general3A_307 = arith.constant dense<0.000000e+00> : vector<1792x104xf32>
    %dot_general3A_308 = tpu.matmul %reshape3A_39, %get3A_306, %dot_general3A_307 {dimension_numbers = #tpu.dot_dimension_numbers<[1], [0], [0], [1], [0, 0, 1, 1], [], []>, transpose_lhs_hint = false} : vector<1792x104xf32>, vector<104x104xf32>, vector<1792x104xf32> -> vector<1792x104xf32>
    %reshape3A_309 = vector.shape_cast %dot_general3A_308 : vector<1792x104xf32> to vector<28x64x104xf32>
    %dot_general3A_310 = arith.constant dense<0.000000e+00> : vector<28x64x64xf32>
    %dot_general3A_311 = tpu.matmul %reshape3A_309, %concatenate3A, %dot_general3A_310 {dimension_numbers = #tpu.dot_dimension_numbers<[2], [2], [1], [1], [0, 0, 0, 1, 1, 1], [0], [0]>, transpose_lhs_hint = false} : vector<28x64x104xf32>, vector<28x64x104xf32>, vector<28x64x64xf32> -> vector<28x64x64xf32>
    %add3A_312 = arith.addf %dot_general3A_311, %select_n3A_144 : vector<28x64x64xf32>
    %exp3A_313 = math.exp %add3A_312 : vector<28x64x64xf32>
    %reduce_sum3A_314 = arith.constant dense<0.000000e+00> : vector<28x64xf32>
    %reduce_sum3A_315 = vector.multi_reduction <add>, %exp3A_313, %reduce_sum3A_314 [2] : vector<28x64x64xf32> to vector<28x64xf32>
    %broadcast_in_dim3A_316 = vector.shape_cast %reduce_sum3A_315 : vector<28x64xf32> to vector<28x64x1xf32>
    %add3A_317 = arith.constant 1.000000e-16 : f32
    %add3A_318 = vector.broadcast %add3A_317 : f32 to vector<28x64x1xf32>
    %add3A_319 = arith.addf %broadcast_in_dim3A_316, %add3A_318 : vector<28x64x1xf32>
    %div3A_320 = arith.constant 1.000000e+00 : f32
    %div3A_321 = vector.broadcast %div3A_320 : f32 to vector<28x64x1xf32>
    %div3A_322 = arith.divf %div3A_321, %add3A_319 : vector<28x64x1xf32>
    %mul3A_323 = vector.broadcast %div3A_322 : vector<28x64x1xf32> to vector<28x64x64xf32>
    %mul3A_324 = arith.mulf %exp3A_313, %mul3A_323 : vector<28x64x64xf32>
    %slice3A_325 = vector.extract_strided_slice %select_n3A_178 {offsets = [4, 0, 0], sizes = [1, 1, 96], strides = [1, 1, 1]} : vector<8x1x96xf32> to vector<1x1x96xf32>
    %squeeze3A_326 = vector.shape_cast %slice3A_325 : vector<1x1x96xf32> to vector<1x96xf32>
    %broadcast_in_dim3A_327 = vector.shape_cast %squeeze3A_326 : vector<1x96xf32> to vector<1x1x96xf32>
    %mul3A_328 = vector.broadcast %broadcast_in_dim3A_327 : vector<1x1x96xf32> to vector<28x64x96xf32>
    %mul3A_329 = arith.mulf %reshape3A_44, %mul3A_328 : vector<28x64x96xf32>
    %dot_general3A_330 = arith.constant dense<0.000000e+00> : vector<28x64x96xf32>
    %dot_general3A_331 = tpu.matmul %mul3A_324, %mul3A_329, %dot_general3A_330 {dimension_numbers = #tpu.dot_dimension_numbers<[2], [1], [1], [2], [0, 0, 0, 1, 1, 2], [0], [0]>, transpose_lhs_hint = false} : vector<28x64x64xf32>, vector<28x64x96xf32>, vector<28x64x96xf32> -> vector<28x64x96xf32>
    %add3A_332 = arith.addf %add3A_301, %dot_general3A_331 : vector<28x64x96xf32>
    %get3A_333 = arith.constant 5 : index
    %get3A_334 = arith.constant 0 : index
    %get3A_335 = arith.constant 0 : index
    %get3A_336 = vector.load %arg3[%get3A_333, %get3A_334, %get3A_335] : memref<8x104x104xf32, #tpu.memory_space<vmem>>, vector<1x104x104xf32>
    %get3A_337 = vector.shape_cast %get3A_336 : vector<1x104x104xf32> to vector<104x104xf32>
    %dot_general3A_338 = arith.constant dense<0.000000e+00> : vector<1792x104xf32>
    %dot_general3A_339 = tpu.matmul %reshape3A_39, %get3A_337, %dot_general3A_338 {dimension_numbers = #tpu.dot_dimension_numbers<[1], [0], [0], [1], [0, 0, 1, 1], [], []>, transpose_lhs_hint = false} : vector<1792x104xf32>, vector<104x104xf32>, vector<1792x104xf32> -> vector<1792x104xf32>
    %reshape3A_340 = vector.shape_cast %dot_general3A_339 : vector<1792x104xf32> to vector<28x64x104xf32>
    %dot_general3A_341 = arith.constant dense<0.000000e+00> : vector<28x64x64xf32>
    %dot_general3A_342 = tpu.matmul %reshape3A_340, %concatenate3A, %dot_general3A_341 {dimension_numbers = #tpu.dot_dimension_numbers<[2], [2], [1], [1], [0, 0, 0, 1, 1, 1], [0], [0]>, transpose_lhs_hint = false} : vector<28x64x104xf32>, vector<28x64x104xf32>, vector<28x64x64xf32> -> vector<28x64x64xf32>
    %add3A_343 = arith.addf %dot_general3A_342, %select_n3A_144 : vector<28x64x64xf32>
    %exp3A_344 = math.exp %add3A_343 : vector<28x64x64xf32>
    %reduce_sum3A_345 = arith.constant dense<0.000000e+00> : vector<28x64xf32>
    %reduce_sum3A_346 = vector.multi_reduction <add>, %exp3A_344, %reduce_sum3A_345 [2] : vector<28x64x64xf32> to vector<28x64xf32>
    %broadcast_in_dim3A_347 = vector.shape_cast %reduce_sum3A_346 : vector<28x64xf32> to vector<28x64x1xf32>
    %add3A_348 = arith.constant 1.000000e-16 : f32
    %add3A_349 = vector.broadcast %add3A_348 : f32 to vector<28x64x1xf32>
    %add3A_350 = arith.addf %broadcast_in_dim3A_347, %add3A_349 : vector<28x64x1xf32>
    %div3A_351 = arith.constant 1.000000e+00 : f32
    %div3A_352 = vector.broadcast %div3A_351 : f32 to vector<28x64x1xf32>
    %div3A_353 = arith.divf %div3A_352, %add3A_350 : vector<28x64x1xf32>
    %mul3A_354 = vector.broadcast %div3A_353 : vector<28x64x1xf32> to vector<28x64x64xf32>
    %mul3A_355 = arith.mulf %exp3A_344, %mul3A_354 : vector<28x64x64xf32>
    %slice3A_356 = vector.extract_strided_slice %select_n3A_178 {offsets = [5, 0, 0], sizes = [1, 1, 96], strides = [1, 1, 1]} : vector<8x1x96xf32> to vector<1x1x96xf32>
    %squeeze3A_357 = vector.shape_cast %slice3A_356 : vector<1x1x96xf32> to vector<1x96xf32>
    %broadcast_in_dim3A_358 = vector.shape_cast %squeeze3A_357 : vector<1x96xf32> to vector<1x1x96xf32>
    %mul3A_359 = vector.broadcast %broadcast_in_dim3A_358 : vector<1x1x96xf32> to vector<28x64x96xf32>
    %mul3A_360 = arith.mulf %reshape3A_44, %mul3A_359 : vector<28x64x96xf32>
    %dot_general3A_361 = arith.constant dense<0.000000e+00> : vector<28x64x96xf32>
    %dot_general3A_362 = tpu.matmul %mul3A_355, %mul3A_360, %dot_general3A_361 {dimension_numbers = #tpu.dot_dimension_numbers<[2], [1], [1], [2], [0, 0, 0, 1, 1, 2], [0], [0]>, transpose_lhs_hint = false} : vector<28x64x64xf32>, vector<28x64x96xf32>, vector<28x64x96xf32> -> vector<28x64x96xf32>
    %add3A_363 = arith.addf %add3A_332, %dot_general3A_362 : vector<28x64x96xf32>
    %get3A_364 = arith.constant 6 : index
    %get3A_365 = arith.constant 0 : index
    %get3A_366 = arith.constant 0 : index
    %get3A_367 = vector.load %arg3[%get3A_364, %get3A_365, %get3A_366] : memref<8x104x104xf32, #tpu.memory_space<vmem>>, vector<1x104x104xf32>
    %get3A_368 = vector.shape_cast %get3A_367 : vector<1x104x104xf32> to vector<104x104xf32>
    %dot_general3A_369 = arith.constant dense<0.000000e+00> : vector<1792x104xf32>
    %dot_general3A_370 = tpu.matmul %reshape3A_39, %get3A_368, %dot_general3A_369 {dimension_numbers = #tpu.dot_dimension_numbers<[1], [0], [0], [1], [0, 0, 1, 1], [], []>, transpose_lhs_hint = false} : vector<1792x104xf32>, vector<104x104xf32>, vector<1792x104xf32> -> vector<1792x104xf32>
    %reshape3A_371 = vector.shape_cast %dot_general3A_370 : vector<1792x104xf32> to vector<28x64x104xf32>
    %dot_general3A_372 = arith.constant dense<0.000000e+00> : vector<28x64x64xf32>
    %dot_general3A_373 = tpu.matmul %reshape3A_371, %concatenate3A, %dot_general3A_372 {dimension_numbers = #tpu.dot_dimension_numbers<[2], [2], [1], [1], [0, 0, 0, 1, 1, 1], [0], [0]>, transpose_lhs_hint = false} : vector<28x64x104xf32>, vector<28x64x104xf32>, vector<28x64x64xf32> -> vector<28x64x64xf32>
    %add3A_374 = arith.addf %dot_general3A_373, %select_n3A_144 : vector<28x64x64xf32>
    %exp3A_375 = math.exp %add3A_374 : vector<28x64x64xf32>
    %reduce_sum3A_376 = arith.constant dense<0.000000e+00> : vector<28x64xf32>
    %reduce_sum3A_377 = vector.multi_reduction <add>, %exp3A_375, %reduce_sum3A_376 [2] : vector<28x64x64xf32> to vector<28x64xf32>
    %broadcast_in_dim3A_378 = vector.shape_cast %reduce_sum3A_377 : vector<28x64xf32> to vector<28x64x1xf32>
    %add3A_379 = arith.constant 1.000000e-16 : f32
    %add3A_380 = vector.broadcast %add3A_379 : f32 to vector<28x64x1xf32>
    %add3A_381 = arith.addf %broadcast_in_dim3A_378, %add3A_380 : vector<28x64x1xf32>
    %div3A_382 = arith.constant 1.000000e+00 : f32
    %div3A_383 = vector.broadcast %div3A_382 : f32 to vector<28x64x1xf32>
    %div3A_384 = arith.divf %div3A_383, %add3A_381 : vector<28x64x1xf32>
    %mul3A_385 = vector.broadcast %div3A_384 : vector<28x64x1xf32> to vector<28x64x64xf32>
    %mul3A_386 = arith.mulf %exp3A_375, %mul3A_385 : vector<28x64x64xf32>
    %slice3A_387 = vector.extract_strided_slice %select_n3A_178 {offsets = [6, 0, 0], sizes = [1, 1, 96], strides = [1, 1, 1]} : vector<8x1x96xf32> to vector<1x1x96xf32>
    %squeeze3A_388 = vector.shape_cast %slice3A_387 : vector<1x1x96xf32> to vector<1x96xf32>
    %broadcast_in_dim3A_389 = vector.shape_cast %squeeze3A_388 : vector<1x96xf32> to vector<1x1x96xf32>
    %mul3A_390 = vector.broadcast %broadcast_in_dim3A_389 : vector<1x1x96xf32> to vector<28x64x96xf32>
    %mul3A_391 = arith.mulf %reshape3A_44, %mul3A_390 : vector<28x64x96xf32>
    %dot_general3A_392 = arith.constant dense<0.000000e+00> : vector<28x64x96xf32>
    %dot_general3A_393 = tpu.matmul %mul3A_386, %mul3A_391, %dot_general3A_392 {dimension_numbers = #tpu.dot_dimension_numbers<[2], [1], [1], [2], [0, 0, 0, 1, 1, 2], [0], [0]>, transpose_lhs_hint = false} : vector<28x64x64xf32>, vector<28x64x96xf32>, vector<28x64x96xf32> -> vector<28x64x96xf32>
    %add3A_394 = arith.addf %add3A_363, %dot_general3A_393 : vector<28x64x96xf32>
    %get3A_395 = arith.constant 7 : index
    %get3A_396 = arith.constant 0 : index
    %get3A_397 = arith.constant 0 : index
    %get3A_398 = vector.load %arg3[%get3A_395, %get3A_396, %get3A_397] : memref<8x104x104xf32, #tpu.memory_space<vmem>>, vector<1x104x104xf32>
    %get3A_399 = vector.shape_cast %get3A_398 : vector<1x104x104xf32> to vector<104x104xf32>
    %dot_general3A_400 = arith.constant dense<0.000000e+00> : vector<1792x104xf32>
    %dot_general3A_401 = tpu.matmul %reshape3A_39, %get3A_399, %dot_general3A_400 {dimension_numbers = #tpu.dot_dimension_numbers<[1], [0], [0], [1], [0, 0, 1, 1], [], []>, transpose_lhs_hint = false} : vector<1792x104xf32>, vector<104x104xf32>, vector<1792x104xf32> -> vector<1792x104xf32>
    %reshape3A_402 = vector.shape_cast %dot_general3A_401 : vector<1792x104xf32> to vector<28x64x104xf32>
    %dot_general3A_403 = arith.constant dense<0.000000e+00> : vector<28x64x64xf32>
    %dot_general3A_404 = tpu.matmul %reshape3A_402, %concatenate3A, %dot_general3A_403 {dimension_numbers = #tpu.dot_dimension_numbers<[2], [2], [1], [1], [0, 0, 0, 1, 1, 1], [0], [0]>, transpose_lhs_hint = false} : vector<28x64x104xf32>, vector<28x64x104xf32>, vector<28x64x64xf32> -> vector<28x64x64xf32>
    %add3A_405 = arith.addf %dot_general3A_404, %select_n3A_144 : vector<28x64x64xf32>
    %exp3A_406 = math.exp %add3A_405 : vector<28x64x64xf32>
    %reduce_sum3A_407 = arith.constant dense<0.000000e+00> : vector<28x64xf32>
    %reduce_sum3A_408 = vector.multi_reduction <add>, %exp3A_406, %reduce_sum3A_407 [2] : vector<28x64x64xf32> to vector<28x64xf32>
    %broadcast_in_dim3A_409 = vector.shape_cast %reduce_sum3A_408 : vector<28x64xf32> to vector<28x64x1xf32>
    %add3A_410 = arith.constant 1.000000e-16 : f32
    %add3A_411 = vector.broadcast %add3A_410 : f32 to vector<28x64x1xf32>
    %add3A_412 = arith.addf %broadcast_in_dim3A_409, %add3A_411 : vector<28x64x1xf32>
    %div3A_413 = arith.constant 1.000000e+00 : f32
    %div3A_414 = vector.broadcast %div3A_413 : f32 to vector<28x64x1xf32>
    %div3A_415 = arith.divf %div3A_414, %add3A_412 : vector<28x64x1xf32>
    %mul3A_416 = vector.broadcast %div3A_415 : vector<28x64x1xf32> to vector<28x64x64xf32>
    %mul3A_417 = arith.mulf %exp3A_406, %mul3A_416 : vector<28x64x64xf32>
    %slice3A_418 = vector.extract_strided_slice %select_n3A_178 {offsets = [7, 0, 0], sizes = [1, 1, 96], strides = [1, 1, 1]} : vector<8x1x96xf32> to vector<1x1x96xf32>
    %squeeze3A_419 = vector.shape_cast %slice3A_418 : vector<1x1x96xf32> to vector<1x96xf32>
    %broadcast_in_dim3A_420 = vector.shape_cast %squeeze3A_419 : vector<1x96xf32> to vector<1x1x96xf32>
    %mul3A_421 = vector.broadcast %broadcast_in_dim3A_420 : vector<1x1x96xf32> to vector<28x64x96xf32>
    %mul3A_422 = arith.mulf %reshape3A_44, %mul3A_421 : vector<28x64x96xf32>
    %dot_general3A_423 = arith.constant dense<0.000000e+00> : vector<28x64x96xf32>
    %dot_general3A_424 = tpu.matmul %mul3A_417, %mul3A_422, %dot_general3A_423 {dimension_numbers = #tpu.dot_dimension_numbers<[2], [1], [1], [2], [0, 0, 0, 1, 1, 2], [0], [0]>, transpose_lhs_hint = false} : vector<28x64x64xf32>, vector<28x64x96xf32>, vector<28x64x96xf32> -> vector<28x64x96xf32>
    %add3A_425 = arith.addf %add3A_394, %dot_general3A_424 : vector<28x64x96xf32>
    %swap3A = arith.constant 0 : index
    %swap3A_426 = arith.constant 0 : index
    %swap3A_427 = arith.constant 0 : index
    %swap3A_428 = vector.load %arg6[%swap3A, %swap3A_426, %swap3A_427] : memref<28x64x96xf32, #tpu.memory_space<vmem>>, vector<28x64x96xf32>
    tpu.vector_store %arg6[%swap3A, %swap3A_426, %swap3A_427], %add3A_425 {strides = array<i32>} : memref<28x64x96xf32, #tpu.memory_space<vmem>>, vector<28x64x96xf32>,
    return
  }
  func.func @transform_0(%arg0: i32, %arg1: i32) -> (i32, i32, i32, i32) {
    %c0_i32 = arith.constant 0 : i32
    %c0_i32_0 = arith.constant 0 : i32
    %c0_i32_1 = arith.constant 0 : i32
    return %arg0, %c0_i32, %arg1, %c0_i32_0 : i32, i32, i32, i32
  }
  func.func @transform_1(%arg0: i32, %arg1: i32) -> (i32, i32, i32) {
    %c0_i32 = arith.constant 0 : i32
    %c0_i32_0 = arith.constant 0 : i32
    %c0_i32_1 = arith.constant 0 : i32
    %c0_i32_2 = arith.constant 0 : i32
    return %c0_i32, %c0_i32_0, %c0_i32_1 : i32, i32, i32
  }
  func.func @transform_2(%arg0: i32, %arg1: i32) -> (i32, i32) {
    %c0_i32 = arith.constant 0 : i32
    %c0_i32_0 = arith.constant 0 : i32
    %c0_i32_1 = arith.constant 0 : i32
    return %c0_i32, %c0_i32_0 : i32, i32
  }
  func.func @transform_3(%arg0: i32, %arg1: i32) -> (i32, i32) {
    %c0_i32 = arith.constant 0 : i32
    %c0_i32_0 = arith.constant 0 : i32
    %c0_i32_1 = arith.constant 0 : i32
    return %c0_i32, %c0_i32_0 : i32, i32
  }
  func.func @transform_4(%arg0: i32, %arg1: i32) -> (i32, i32, i32) {
    %mul3A = arith.constant 28 : i32
    %mul3A_0 = arith.muli %arg0, %mul3A : i32
    %add3A = arith.addi %mul3A_0, %arg1 : i32
    %c0_i32 = arith.constant 0 : i32
    %c0_i32_1 = arith.constant 0 : i32
    %c0_i32_2 = arith.constant 0 : i32
    return %add3A, %c0_i32, %c0_i32_1 : i32, i32, i32
  }
}

</mosaic_0001>

<sc_bundles>
// kernel: sparse-core-data-format-call.1.cloned.1.call-start
scs
called_computation.1_lowered:
.L_overlay_start_0:
0x0: {  	s1 =	sld [smem:$0x3FD9]  }
0x1: {  	s2 =	sld [smem:$0x3FFE];
	_ =	sdelay $0x1  }
0x2: {  	s3 =	srdreg.scid  }
0x3: {  	s0 =	sand.u32 $0x1, s3  }
0x4: {  	s17 =	sshll.u32 s0, $0xA;
	s1 =	sadd.s32 s2, s1  }
0x5: {  	s1 =	sadd.s32 s1, s17  }
0x6: {  	[smem:$0x3FBF] =	sst s1  }
0x7: {  	_ = 	snop  }
0x8: {  	(tm) =	ssettm $0x1  }
0x9: {  	s18 =	sld [smem:$0x3FFB];
	_ =	sdelay $0x3  }
0xa: {  	_ =	strace s18  }
0xb: {  	s1 =	sld [smem:$0x3FFC];
	_ =	sdelay $0x3  }
0xc: {  	_ =	strace s1  }
0xd: {  	s1 =	sld [smem:$0x3FFD];
	_ =	sdelay $0x3  }
0xe: {  	_ =	strace s1  }
0xf: {  	_ =	strace $0x8FFFFFFF  }
0x10: {  	s19 =	sld [smem:$0x3FDB];
	_ =	sdelay $0x1  }
0x11: {  	s20 =	simm.s32 $_scs_section_size  }
0x12: {  	s4 =	simm.s32 $_size__tile_overlayer_lowered;
	s5 =	simm.s32 $_tile_overlayer_lowered  }
0x13: {  	s23 =	simm.s32 $0x1BFF;
	s22 =	sshll.u32 s5, $0x1;
	s1 =	sadd.s32 s20, s19  }
0x14: {  	s6 =	simm.s32 $0x0;
	s21 =	sshll.u32 s4, $0x1;
	s4 =	sadd.s32 s22, s1  }
0x15: {  	[timem:s6], [sflag:s23] =	dma.local [hbm:s4], s21  }
0x16: {  	_ =	swait.ge [sflag:s23], s21  }
0x17: {  	s2 =	ssub.s32 $0x0, s21;
	[sflag:s23] =	ssyncset.done $0x0  }
0x18: {  	[sflag:s23] =	ssyncadd.s32 s2;
	_ =	sdelay $0x1  }
0x19: {  	s24 =	simm.s32 $0x1B8B  }
0x1a: {  	_ =	swait.ge [sflag:s24], $0x1  }
0x1b: {  	[sflag:s24] =	ssyncset.done $0x0  }
0x1c: {  	s26 =	simm.s32 $0x1B8E;
	s25 =	sld [smem:$0x3FFE];
	[sflag:s24] =	ssyncadd.s32 $0xFFFFFFFF  }
0x1d: {  	s27 =	simm.s32 $execute0_lowered;
	[smem:$0x3FD2] =	sst s26  }
0x1e: {  	s4 =	sshll.u32 s27, $0x1;
	_ =	strace $0x80000046;
	[dreg:$0x1] =	wrdreg $0xFFFFFFFF  }
0x1f: {  	s28 =	simm.s32 $_size_execute0_lowered;
	s1 =	sadd.s32 s1, s4;
	[dreg:$0x0] =	wrdreg $0x0  }
0x20: {  	s4 =	sshll.u32 s28, $0x1;
	[dreg:$0x2] =	wrdreg s1  }
0x21: {  	[dreg:$0x3] =	wrdreg s4  }
0x22: {  	[dreg:$0x4] =	wrdreg $0xC0  }
0x23: {  	_ =	task [dreg:s6], $0x5FFFF  }
0x24: {  	[dreg:$0x1] =	wrdreg $0xFFFFFFFF  }
0x25: {  	[dreg:$0x0] =	wrdreg $0x60  }
0x26: {  	[dreg:$0x2] =	wrdreg s25  }
0x27: {  	[dreg:$0x3] =	wrdreg $0x9  }
0x28: {  	_ =	task.clear_ibuf [dreg:s6], $0x4FFFF;
	_ =	strace $0x90000046  }
0x29: {  	s29 =	simm.s32 $0x9;
	_ =	strace $0x80000048  }
0x2a: {  	_ =	swait.ge [sflag:s29], $0x1  }
0x2b: {  	[sflag:s29] =	ssyncadd.s32 $0xFFFFFFFF  }
0x2c: {  	_ =	strace $0x90000048  }
0x2d: {  	_ =	sfence  }
0x2e: {  	s30 =	sld [smem:$0x0];
	_ =	sdelay $0x2  }
0x2f: {  	s31 =	sshll.u32 s3, $0xD;
	s3 =	sshrl.u32 s3, $0x2  }
0x30: {  	s2 =	sand.u32 $0x4000, s31;
	s1 =	sadd.s32 s3, s30  }
0x31: {  	s0 =	sor.u32 s2, s0;
	s1 =	sshll.u32 s1, $0x11  }
0x32: {  	s0 =	sor.u32 s1, s0  }
0x33: {  	s0 =	sadd.s32 $0x8F2B, s0  }
0x34: {  	[sflag:s0] =	ssyncadd.remote.s32 $0x1  }
0x35: {  	_ =	sfence.sel $0xFFFF  }
0x36: {  	[dreg:$0x0] =	wrdreg $0xFFFFFFFF;
	(pc) =	sbr.abs _section_cstart, $3  }
0x37: {  	[dreg:$0x1] =	wrdreg $0xFFFFFFFF  }
0x38: {  	_ =	task.clear_ibuf [dreg:s6], $0x2FFFF;
	_ =	strace $0x9FFFFFFF  }
0x39: {  	(tm) =	ssettm $0x7FFFFFFF  }
tec
execute0_lowered:
.L_overlay_start_1:
0x0: {  	(tag) =	ssettag $0x1  }
0x1: {  	s0 =	srdreg.scid  }
0x2: {  	s7 =	rddreg [dreg:$0x0];
	s1 =	sshll.u32 s0, $0x4  }
0x3: {  	s8 =	simm.s32 $0x2;
	s0 =	stileid.u32;
	s1 =	sand.u32 $0x10, s1  }
0x4: {  	s15 =	simm.s32 $0x0;
	s2 =	sand.u32 $0x1, s0;
	s1 =	sor.u32 s0, s1  }
0x5: {  	p0 =	por $0x0, $0x0;
	s31 =	ssub.s32 $0x2, s2;
	s3 =	sshrl.u32 s1, $0x1  }
0x6: {  	s4 =	sshrl.u32 s31, $0x1;
	s1 =	sand.u32 $0x1, s31;
	s5 =	ssub.s32 $0x2B, s3  }
0x7: {  	s9 =	simm.s32 $0x800;
	s4 =	sadd.s32 s1, s4;
	s5 =	sshrl.u32 s5, $0x4  }
0x8: {  	s10 =	simm.s32 $0x7000;
	s16 =	simm.s32 $0x0;
	s5 =	smul.u32 s5, s4  }
.Ltmp0:
0x9: {  	s17 =	simm.s32 $0x0;
	s11 =	simm.s32 $0x0;
	(pc) =	sbr.rel .LBB1_1-.Ltmp0, $4  }
0xa: {  	s14 =	simm.s32 $0x0;
	s6 =	sadd.s32 $0x600, s7;
	s1 =	rddreg [dreg:$0x1]  }
0xb: {  	_ =	strace $0x80000047;
	s4 =	simm.s32 $0x1;
	s5 =	smul.u32 $0xE, s5  }
0xc: {  	s7 =	sadd.s32 $0x188600, s7;
	s13 =	smov.u32 s2;
	[sflag:s4] =	ssyncpa.u1 $0x0  }
0xd: {  	s12 =	smov.u32 s3;
	[sflag:s8] =	ssyncpa.u1 $0x0;
	s8 =	sor.u32 $0x1, s5  }
.LBB1_9:
0xe: {  	s18 =	sadd.s32 $0x2, s11  }
0xf: {  	s15 =	sadd.s32 $0x10, s12;
	s19 =	smov.u32 s12;
	p2 =	sgt.s32 s18, $0x1B  }
0x10: {  	s19 =	smov.u32 @p2 s15  }
0x11: {  	s21 =	smov.u32 s13;
	s15 =	sadd.s32 $0x2, s13;
	p3 =	sgt.s32 s19, $0x1B  }
0x12: {  	s21 =	smov.u32 @p3 s15  }
0x13: {  	s18 =	simm.s32 @p2 $0x0;
	p2 =	sgt.s32 s21, $0x1  }
0x14: {  	p1 =	slt.u32 s14, $0x2;
	s21 =	smov.u32 @p2 s2;
	p2 =	sne.s32 s14, s8  }
.Ltmp1:
0x15: {  	s20 =	simm.s32 @!p1 $0x2;
	(pc) =	sbr.rel @!p2 .LBB1_10-.Ltmp1, $4  }
0x16: {  	s16 =	smov.u32 s12;
	s17 =	smov.u32 s13;
	_ =	swait.ge @!p1 [sflag:s20], $0x4000  }
0x17: {  	p0 =	por !p0, !p0;
	[sflag:s20] =	ssyncset.done @!p1 $0x0;
	s19 =	smov.u32 @p3 s3  }
0x18: {  	s15 =	smov.u32 s11;
	[sflag:s20] =	ssyncadd.s32 @!p1 $0xFFFFC000;
	s11 =	smov.u32 s18  }
0x19: {  	s12 =	smov.u32 s19;
	s14 =	sadd.s32 $0x1, s14;
	s13 =	smov.u32 s21  }
.LBB1_1:
0x1a: {  	p1 =	sge.u32 s14, s5  }
0x1b: {  	s18 =	smul.u32 @!p1 $0xC4000, s13  }
0x1c: {  	s19 =	smul.u32 @!p1 $0x7000, s12  }
0x1d: {  	s31 =	sadd.s32 $0xFFFFFFFF, s14;
	s20 =	sxor.u32 @!p1 $0xFFFFFFFF, s14;
	s18 =	sadd.s32 @!p1 s6, s18  }
0x1e: {  	s21 =	sshll.u32 @!p1 s11, $0xA;
	s20 =	sshll.u32 @!p1 s20, $0xE;
	s18 =	sadd.s32 @!p1 s19, s18  }
0x1f: {  	s19 =	sand.u32 @!p1 $0x4000, s20;
	s20 =	simm.s32 @!p1 $0x0;
	s18 =	sadd.s32 @!p1 s21, s18  }
0x20: {  	[tilespmem:s19], [sflag:$0x1] =	stream.linear.gather @!p1 [hbm4b:s18+s20], $0x4000, $0x38;
	[tilespmem:$0x10000] =	vst v63  }
0x21: {  	p1 =	sge.u32 s31, s5  }
.Ltmp2:
0x22: {  	_ = 	snop;
	(pc) =	sbr.rel @p1 .LBB1_9-.Ltmp2, $1  }
0x23: {  	_ =	sdelay $0x3  }
0x24: {  	s18 =	simm.s32 $0x1;
	_ =	swait.ge [sflag:s4], $0x4000  }
0x25: {  	s19 =	sshll.u32 s14, $0xE;
	s21 =	simm.s32 $0x0;
	s18 =	simm.s32 @!p0 $0x0  }
0x26: {  	p2 =	por $0x1, $0x1;
	[sflag:s4] =	ssyncset.done $0x0;
	s18 =	sshll.u32 s18, $0x10  }
0x27: {  	s19 =	sand.u32 $0x4000, s19;
	[sflag:s4] =	ssyncadd.s32 $0xFFFFC000;
	s20 =	sshrl.u32 s18, $0x2  }
0x28: {  	s18 =	sor.u32 $0x8000, s19;
	s19 =	sadd.s32 $0x8070, s20;
	s20 =	sadd.s32 $0x40, s20  }
.LBB1_3:
0x29: {  	s22 =	sshll.u32 s21, $0xA;
	s31 =	sshll.u32 s21, $0xD  }
0x2a: {  	p1 =	por p2, p2;
	s22 =	sand.u32 $0x3FFFFC00, s22;
	s23 =	sand.u32 $0x3FFFE000, s31  }
0x2b: {  	s21 =	sadd.s32 s22, s19;
	s22 =	sadd.s32 s23, s20;
	s23 =	simm.s32 $0x0  }
.LBB1_4:
0x2c: {  	v1 =	vmov s22;
	_ =	sdelay $0x3  }
0x2d: {  	s24 =	simm.s32 $0x0  }
0x2e: {  	v7 =	vld.idx.msk [tilespmem:v1+s24+$0x30 ss:$0x1], $0xffff  }
0x2f: {  	v0 =	vmov s21;
	v8 =	vld.idx.msk [tilespmem:v1+s24+$0xFFFFFFC0 ss:$0x1], $0xffff  }
0x30: {  	v6 =	vld.idx.msk [tilespmem:v1+s24+$0xFFFFFFD0 ss:$0x1], $0xffff  }
0x31: {  	v5 =	vld.idx.msk [tilespmem:v1+s24+$0xFFFFFFE0 ss:$0x1], $0xffff  }
0x32: {  	v4 =	vld.idx.msk [tilespmem:v1+s24+$0xFFFFFFF0 ss:$0x1], $0xffff  }
0x33: {  	v2 =	vld.idx.msk [tilespmem:v1+s24+$0x0 ss:$0x1], $0xffff  }
0x34: {  	v3 =	vld.idx.msk [tilespmem:v1+s24+$0x10 ss:$0x1], $0xffff;
	[tilespmem:v0+s24+$0x0 ss:$0x1] =	vst.idx.msk $0xffff, v7  }
0x35: {  	s25 =	simm.s32 $0x80;
	s26 =	simm.s32 $0x400;
	[tilespmem:v0+s24+$0xFFFFFF90 ss:$0x1] =	vst.idx.msk $0xffff, v8;
	v7 =	vld.idx.msk [tilespmem:v1+s24+$0x20 ss:$0x1], $0xffff  }
.LBB1_5:
0x36: {  	p2 =	sne.s32 s26, $0xE00;
	v8 =	vld.idx.msk [tilespmem:v1+s25+$0x30 ss:$0x1], $0xffff;
	[tilespmem:v0+s24+$0xFFFFFFA0 ss:$0x1] =	vst.idx.msk $0xffff, v6  }
0x37: {  	v9 =	vld.idx.msk [tilespmem:v1+s25+$0xFFFFFFC0 ss:$0x1], $0xffff;
	[tilespmem:v0+s24+$0xFFFFFFB0 ss:$0x1] =	vst.idx.msk $0xffff, v5  }
0x38: {  	v6 =	vld.idx.msk [tilespmem:v1+s25+$0xFFFFFFD0 ss:$0x1], $0xffff;
	[tilespmem:v0+s24+$0xFFFFFFC0 ss:$0x1] =	vst.idx.msk $0xffff, v4  }
.Ltmp3:
0x39: {  	v5 =	vld.idx.msk [tilespmem:v1+s25+$0xFFFFFFE0 ss:$0x1], $0xffff;
	[tilespmem:v0+s24+$0xFFFFFFD0 ss:$0x1] =	vst.idx.msk $0xffff, v2;
	(pc) =	sbr.rel @p2 .LBB1_5-.Ltmp3, $4  }
0x3a: {  	v4 =	vld.idx.msk [tilespmem:v1+s25+$0xFFFFFFF0 ss:$0x1], $0xffff;
	[tilespmem:v0+s24+$0xFFFFFFE0 ss:$0x1] =	vst.idx.msk $0xffff, v3  }
0x3b: {  	v2 =	vld.idx.msk [tilespmem:v1+s25+$0x0 ss:$0x1], $0xffff;
	[tilespmem:v0+s24+$0xFFFFFFF0 ss:$0x1] =	vst.idx.msk $0xffff, v7;
	s24 =	smov.u32 s25  }
0x3c: {  	v3 =	vld.idx.msk [tilespmem:v1+s24+$0x10 ss:$0x1], $0xffff;
	[tilespmem:v0+s24+$0x0 ss:$0x1] =	vst.idx.msk $0xffff, v8  }
0x3d: {  	s25 =	sshra.s32 s26, $0x2;
	s26 =	sadd.s32 $0x200, s26;
	[tilespmem:v0+s24+$0xFFFFFF90 ss:$0x1] =	vst.idx.msk $0xffff, v9;
	v7 =	vld.idx.msk [tilespmem:v1+s24+$0x20 ss:$0x1], $0xffff  }
0x3e: {  	_ =	sdelay $0x3  }
0x3f: {  	[tilespmem:v0+s24+$0xFFFFFFA0 ss:$0x1] =	vst.idx.msk $0xffff, v6  }
0x40: {  	v56 =	vld.idx.msk [tilespmem:v1+s25+$0x30 ss:$0x1], $0xffff;
	[tilespmem:v0+s24+$0xFFFFFFB0 ss:$0x1] =	vst.idx.msk $0xffff, v5  }
0x41: {  	v57 =	vld.idx.msk [tilespmem:v1+s25+$0xFFFFFFC0 ss:$0x1], $0xffff;
	[tilespmem:v0+s24+$0xFFFFFFC0 ss:$0x1] =	vst.idx.msk $0xffff, v4  }
0x42: {  	v58 =	vld.idx.msk [tilespmem:v1+s25+$0xFFFFFFD0 ss:$0x1], $0xffff;
	[tilespmem:v0+s24+$0xFFFFFFD0 ss:$0x1] =	vst.idx.msk $0xffff, v2  }
0x43: {  	v59 =	vld.idx.msk [tilespmem:v1+s25+$0xFFFFFFE0 ss:$0x1], $0xffff;
	[tilespmem:v0+s24+$0xFFFFFFE0 ss:$0x1] =	vst.idx.msk $0xffff, v3  }
0x44: {  	v60 =	vld.idx.msk [tilespmem:v1+s25+$0xFFFFFFF0 ss:$0x1], $0xffff;
	[tilespmem:v0+s24+$0xFFFFFFF0 ss:$0x1] =	vst.idx.msk $0xffff, v7  }
0x45: {  	v61 =	vld.idx.msk [tilespmem:v1+s25+$0x0 ss:$0x1], $0xffff;
	[tilespmem:v0+s25+$0x0 ss:$0x1] =	vst.idx.msk $0xffff, v56  }
0x46: {  	v62 =	vld.idx.msk [tilespmem:v1+s25+$0x10 ss:$0x1], $0xffff;
	s23 =	sadd.s32 $0x1, s23;
	[tilespmem:v0+s25+$0xFFFFFF90 ss:$0x1] =	vst.idx.msk $0xffff, v57  }
0x47: {  	v63 =	vld.idx.msk [tilespmem:v1+s25+$0x20 ss:$0x1], $0xffff;
	p2 =	sne.s32 s23, $0x8;
	[tilespmem:v0+s25+$0xFFFFFFA0 ss:$0x1] =	vst.idx.msk $0xffff, v58  }
.Ltmp4:
0x48: {  	[tilespmem:v0+s25+$0xFFFFFFB0 ss:$0x1] =	vst.idx.msk $0xffff, v59;
	(pc) =	sbr.rel @p2 .LBB1_4-.Ltmp4, $4  }
0x49: {  	[tilespmem:v0+s25+$0xFFFFFFC0 ss:$0x1] =	vst.idx.msk $0xffff, v60  }
0x4a: {  	[tilespmem:v0+s25+$0xFFFFFFD0 ss:$0x1] =	vst.idx.msk $0xffff, v61  }
0x4b: {  	[tilespmem:v0+s25+$0xFFFFFFE0 ss:$0x1] =	vst.idx.msk $0xffff, v62  }
0x4c: {  	s21 =	sadd.s32 $0x800, s21;
	s22 =	sadd.s32 $0x400, s22;
	[tilespmem:v0+s25+$0xFFFFFFF0 ss:$0x1] =	vst.idx.msk $0xffff, v63  }
.Ltmp5:
0x4d: {  	(pc) =	sbr.rel @p1 .LBB1_3-.Ltmp5, $2  }
0x4e: {  	_ =	sdelay $0x2  }
0x4f: {  	s21 =	simm.s32 $0x1;
	p2 =	por $0x0, $0x0  }
0x50: {  	s17 =	smul.u32 $0xC4000, s17  }
0x51: {  	s16 =	smul.u32 $0x7000, s16  }
.Ltmp6:
0x52: {  	_ = 	snop;
	(pc) =	sbr.rel .LBB1_9-.Ltmp6, $4  }
0x53: {  	s17 =	sadd.s32 s7, s17  }
0x54: {  	s15 =	sshll.u32 s15, $0x7;
	s16 =	sadd.s32 s16, s17  }
0x55: {  	s15 =	sadd.s32 s15, s16  }
0x56: {  	[hbm4b:s15+s9] =	stream.strided.scatter [tilespmem:s18], [sflag:$0x2], $0x4000, s10, s9, $0x38;
	[tilespmem:$0x10000] =	vst v63  }
.LBB1_10:
0x57: {  	_ =	sfence.sel $0x180000  }
0x58: {  	s2 =	simm.s32 $0x1;
	[bflag:$0x0] =	sbarrier.arrive $0xFFFF  }
0x59: {  	s31 =	simm.s32 $0x2;
	[sflag:s2] =	ssyncpa.u1 $0x1  }
0x5a: {  	[sflag:s31] =	ssyncpa.u1 $0x1  }
0x5b: {  	p0 =	sne.s32 s0, $0x0;
	_ =	strace $0x90000047  }
0x5c: {  	s0 =	sadd.s32 @!p0 $0x100000, s1;
	[bflag:$0x2] =	sbarrier.arrive $0xFFFF  }
0x5d: {  	[sflag:s0] =	ssyncadd.tile.s32 @!p0 $0x1;
	_ =	shalt  }
.Lfunc_end1:
_tile_overlayer_lowered:
.L_overlay_start_2:
0x5e: {  	(tag) =	ssettag $0x2  }
0x5f: {  	s0 =	rddreg [dreg:$0x0];
	s2 =	stileid.u32  }
0x60: {  	s1 =	rddreg [dreg:$0x1];
	p0 =	sne.s32 s2, $0x0  }
0x61: {  	s3 =	rddreg [dreg:$0x2];
	[bflag:$0x3] =	sbarrier.arrive $0xFFFF;
	s2 =	simm.s32 @!p0 $0x1C01  }
0x62: {  	[timem:s3], [sflag:s2] =	dma.local @!p0 [hbm:s0], s1  }
0x63: {  	s0 =	simm.s32 @!p0 $0x1  }
0x64: {  	_ =	swait.ge @!p0 [sflag:s0], s1  }
0x65: {  	s1 =	ssub.s32 @!p0 $0x0, s1;
	[sflag:s0] =	ssyncset.done @!p0 $0x0  }
0x66: {  	[sflag:s0] =	ssyncadd.s32 @!p0 s1  }
0x67: {  	[bflag:$0x3] =	sbarrier.arrive $0xFFFF  }
0x68: {  	_ =	shalt  }

// kernel: sparse-core-data-format-call.cloned.1.call-start
scs
called_computation_lowered:
.L_overlay_start_0:
0x0: {  	s2 =	sld [smem:$0x3FD9]  }
0x1: {  	s3 =	sld [smem:$0x3FFE];
	_ =	sdelay $0x1  }
0x2: {  	s1 =	srdreg.scid  }
0x3: {  	s0 =	sand.u32 $0x1, s1  }
0x4: {  	s18 =	sshll.u32 s0, $0xA;
	s2 =	sadd.s32 s3, s2  }
0x5: {  	s2 =	sadd.s32 s2, s18  }
0x6: {  	[smem:$0x3FBF] =	sst s2  }
0x7: {  	_ = 	snop  }
0x8: {  	s2 =	sld [smem:$0x3FD0];
	(tm) =	ssettm $0x1  }
0x9: {  	s19 =	sld [smem:$0x3FFB];
	_ =	sdelay $0x3  }
0xa: {  	_ =	strace s19  }
0xb: {  	s3 =	sld [smem:$0x3FFC];
	_ =	sdelay $0x3  }
0xc: {  	_ =	strace s3  }
0xd: {  	s3 =	sld [smem:$0x3FFD];
	_ =	sdelay $0x3  }
0xe: {  	_ =	strace s3  }
0xf: {  	_ =	strace $0x8FFFFFFF  }
0x10: {  	s20 =	sld [smem:$0x3FDB];
	_ =	sdelay $0x1  }
0x11: {  	s4 =	simm.s32 $_scs_section_size  }
0x12: {  	s5 =	simm.s32 $_size__tile_overlayer_lowered;
	s6 =	simm.s32 $_tile_overlayer_lowered  }
0x13: {  	s23 =	simm.s32 $0x1BFF;
	s22 =	sshll.u32 s6, $0x1;
	s3 =	sadd.s32 s4, s20  }
0x14: {  	s7 =	simm.s32 $0x0;
	s21 =	sshll.u32 s5, $0x1;
	s5 =	sadd.s32 s22, s3  }
0x15: {  	[timem:s7], [sflag:s23] =	dma.local [hbm:s5], s21  }
0x16: {  	_ =	swait.ge [sflag:s23], s21  }
0x17: {  	s4 =	ssub.s32 $0x0, s21;
	[sflag:s23] =	ssyncset.done $0x0  }
0x18: {  	[sflag:s23] =	ssyncadd.s32 s4;
	_ =	sdelay $0x1  }
0x19: {  	s24 =	simm.s32 $0x1B8B  }
0x1a: {  	_ =	swait.ge [sflag:s24], $0x1  }
0x1b: {  	[sflag:s24] =	ssyncset.done $0x0  }
0x1c: {  	s26 =	simm.s32 $0x1B8E;
	s25 =	sld [smem:$0x3FFE];
	[sflag:s24] =	ssyncadd.s32 $0xFFFFFFFF  }
0x1d: {  	s27 =	simm.s32 $execute0_lowered;
	[smem:$0x3FD2] =	sst s26  }
0x1e: {  	s5 =	sshll.u32 s27, $0x1;
	_ =	strace $0x80000049;
	[dreg:$0x1] =	wrdreg $0xFFFFFFFF  }
0x1f: {  	s28 =	simm.s32 $_size_execute0_lowered;
	s3 =	sadd.s32 s3, s5;
	[dreg:$0x0] =	wrdreg $0x0  }
0x20: {  	s5 =	sshll.u32 s28, $0x1;
	[dreg:$0x2] =	wrdreg s3  }
0x21: {  	[dreg:$0x3] =	wrdreg s5  }
0x22: {  	[dreg:$0x4] =	wrdreg $0xC0  }
0x23: {  	_ =	task [dreg:s7], $0x5FFFF  }
0x24: {  	[dreg:$0x1] =	wrdreg $0xFFFFFFFF  }
0x25: {  	[dreg:$0x0] =	wrdreg $0x60  }
0x26: {  	[dreg:$0x2] =	wrdreg s25  }
0x27: {  	[dreg:$0x3] =	wrdreg s2  }
0x28: {  	[dreg:$0x4] =	wrdreg $0x9  }
0x29: {  	_ =	task.clear_ibuf [dreg:s7], $0x5FFFF;
	_ =	strace $0x90000049  }
0x2a: {  	s29 =	simm.s32 $0x9;
	_ =	strace $0x8000004B  }
0x2b: {  	_ =	swait.ge [sflag:s29], $0x1  }
0x2c: {  	[sflag:s29] =	ssyncadd.s32 $0xFFFFFFFF  }
0x2d: {  	_ =	strace $0x9000004B  }
0x2e: {  	_ =	sfence  }
0x2f: {  	s30 =	sld [smem:$0x0];
	_ =	sdelay $0x2  }
0x30: {  	s31 =	sshll.u32 s1, $0xD;
	s1 =	sshrl.u32 s1, $0x2  }
0x31: {  	s3 =	sand.u32 $0x4000, s31;
	s1 =	sadd.s32 s1, s30  }
0x32: {  	s0 =	sor.u32 s3, s0;
	s1 =	sshll.u32 s1, $0x11  }
0x33: {  	s0 =	sor.u32 s1, s0  }
0x34: {  	s0 =	sadd.s32 $0x8F2B, s0  }
0x35: {  	[sflag:s0] =	ssyncadd.remote.s32 $0x1  }
0x36: {  	_ =	sfence.sel $0xFFFF  }
0x37: {  	[dreg:$0x0] =	wrdreg $0xFFFFFFFF;
	(pc) =	sbr.abs _section_cstart, $3  }
0x38: {  	[dreg:$0x1] =	wrdreg $0xFFFFFFFF  }
0x39: {  	_ =	task.clear_ibuf [dreg:s7], $0x2FFFF;
	_ =	strace $0x9FFFFFFF  }
0x3a: {  	(tm) =	ssettm $0x7FFFFFFF  }
0x3b: {  	_ =	shalt  }
tec
execute0_lowered:
.L_overlay_start_1:
0x0: {  	(tag) =	ssettag $0x1  }
0x1: {  	s0 =	rddreg [dreg:$0x0];
	s4 =	stileid.u32;
	_ =	strace $0x8000004A  }
0x2: {  	s2 =	srdreg.scid;
	s30 =	simm.s32 $0x1;
	s31 =	simm.s32 $0x2  }
0x3: {  	s18 =	simm.s32 $0x0;
	s19 =	simm.s32 $0x0;
	s20 =	simm.s32 $0x0  }
0x4: {  	s10 =	simm.s32 $0x0;
	s11 =	simm.s32 $0x0;
	s17 =	simm.s32 $0x0  }
0x5: {  	s12 =	simm.s32 $0x0;
	s6 =	sand.u32 $0x1, s4;
	s29 =	sshll.u32 s2, $0x4  }
0x6: {  	s7 =	sadd.s32 $0x188600, s0;
	s1 =	ssub.s32 $0x2, s6;
	s0 =	sand.u32 $0x10, s29  }
0x7: {  	[dreg:$0x3] =	wrdreg s6;
	s3 =	sshrl.u32 s1, $0x1;
	s1 =	sand.u32 $0x1, s1  }
.Ltmp0:
0x8: {  	s0 =	sor.u32 s4, s0;
	s1 =	sadd.s32 s1, s3;
	(pc) =	sbr.rel .LBB1_1-.Ltmp0, $4  }
0x9: {  	[dreg:$0x4] =	wrdreg s7;
	s9 =	sshrl.u32 s0, $0x1;
	s8 =	smul.u32 $0x1C, s1  }
0xa: {  	s16 =	simm.s32 $0x0;
	[sflag:s30] =	ssyncpa.u1 $0x0;
	[dreg:$0x6] =	wrdreg s9  }
0xb: {  	[sflag:s31] =	ssyncpa.u1 $0x0;
	s13 =	sor.u32 $0x1, s8;
	[dreg:$0x5] =	wrdreg s8  }
0xc: {  	s15 =	smov.u32 s6;
	s14 =	smov.u32 s9;
	[dreg:$0x7] =	wrdreg s13  }
.LBB1_13:
0xd: {  	s4 =	rddreg [dreg:$0xd]  }
0xe: {  	s23 =	rddreg [dreg:$0xc]  }
0xf: {  	s17 =	rddreg [dreg:$0x8]  }
0x10: {  	s26 =	rddreg [dreg:$0x1]  }
0x11: {  	s29 =	rddreg [dreg:$0xe]  }
0x12: {  	s0 =	sshll.u32 s11, $0x8;
	s1 =	sshll.u32 s10, $0x3;
	s6 =	rddreg [dreg:$0x3]  }
0x13: {  	p0 =	sgt.s32 s10, $0x80;
	s2 =	smov.u32 s10;
	s7 =	rddreg [dreg:$0x4]  }
0x14: {  	s3 =	sshll.u32 s11, $0x7;
	s24 =	sand.u32 $0x78, s10;
	s8 =	rddreg [dreg:$0x5]  }
0x15: {  	s27 =	sand.u32 $0x7, s10;
	s31 =	simm.s32 $0xE000;
	s9 =	rddreg [dreg:$0x6]  }
0x16: {  	s0 =	sand.u32 $0xFFFFF800, s0;
	s1 =	sand.u32 $0xFFFFFC00, s1;
	s2 =	simm.s32 @!p0 $0x80  }
0x17: {  	s20 =	sand.u32 $0x300, s3;
	s0 =	sadd.s32 s0, s1;
	s2 =	sadd.s32 s4, s2  }
0x18: {  	s5 =	smul.u32 $0xA8000, s17;
	s0 =	sor.u32 s20, s0;
	s21 =	sadd.s32 $0xFFFFFF80, s2  }
0x19: {  	s1 =	ssub.s32 $0x100, s2;
	s0 =	sshrl.u32 s0, $0x8;
	p0 =	sgt.s32 s21, $0x7F  }
0x1a: {  	s13 =	rddreg [dreg:$0x7];
	s22 =	smulhi.u32 $0x124924A, s0;
	s1 =	simm.s32 @p0 $0x0  }
0x1b: {  	s18 =	rddreg [dreg:$0x9];
	s3 =	sand.u32 $0x80, s3;
	s1 =	smul.u32 s1, s23  }
0x1c: {  	s19 =	rddreg [dreg:$0xa];
	s3 =	sor.u32 s24, s3;
	s2 =	smul.u32 $0xE0, s22  }
0x1d: {  	s28 =	sshll.u32 s27, $0x12;
	s4 =	sor.u32 $0x8000, s29;
	s25 =	sshrl.u32 s3, $0x3  }
0x1e: {  	s3 =	sadd.s32 s26, s5;
	s1 =	smul.u32 $0x60, s1;
	s0 =	ssub.s32 s0, s2  }
0x1f: {  	s30 =	sor.u32 $0x80, s28;
	s2 =	sadd.s32 s25, s3;
	s0 =	sshll.u32 s0, $0x5  }
0x20: {  	s20 =	rddreg [dreg:$0xb];
	s1 =	sand.u32 $0x3FFFFFE0, s1;
	s0 =	sadd.s32 s0, s2  }
0x21: {  	[hbm4b:s0+s30] =	stream.strided.scatter [tilespmem:s4], [sflag:$0x2], s1, s31, s30, $0x20;
	[tilespmem:$0x10100] =	vst v63  }
.LBB1_14:
0x22: {  	p0 =	slt.u32 s16, $0x2  }
0x23: {  	s0 =	smov.u32 s20;
	s2 =	smov.u32 s19;
	p1 =	sgt.s32 @!p0 s20, $0x1  }
0x24: {  	s1 =	sshra.s32 @!p0 s20, $0x1F;
	s3 =	sshra.s32 @!p0 s19, $0x1F;
	p1 =	por !p1, p0  }
0x25: {  	s1 =	sand.u32 @!p0 s1, s20;
	s0 =	simm.s32 @p1 $0x1;
	p1 =	sgt.s32 @!p0 s19, $0xDF  }
0x26: {  	p2 =	sgt.s32 @!p0 s18, $0x80;
	s1 =	sxor.u32 @!p0 $0xFFFFFFFF, s1;
	p1 =	por !p1, p0  }
0x27: {  	s0 =	sadd.s32 @!p0 s1, s0;
	s1 =	sand.u32 @!p0 s3, s19;
	s2 =	simm.s32 @p1 $0xDF  }
0x28: {  	p2 =	por !p2, p0;
	s3 =	smov.u32 s18;
	s1 =	ssub.s32 @!p0 s2, s1  }
0x29: {  	p1 =	sgt.s32 @!p0 s0, $0x0;
	s0 =	ssub.s32 @!p0 $0x1, s0;
	s2 =	sadd.s32 @!p0 $0xFFFFFF21, s1  }
0x2a: {  	s3 =	simm.s32 @p2 $0x80;
	p2 =	sgt.s32 @!p0 s2, $0x0;
	s2 =	sshra.s32 @!p0 s18, $0x1F  }
0x2b: {  	s0 =	smul.u32 @!p0 $0x60, s0;
	p1 =	por !p1, p0;
	s2 =	sand.u32 @!p0 s2, s18  }
0x2c: {  	s1 =	ssub.s32 @!p0 $0xE0, s1;
	p2 =	por !p2, p0;
	s2 =	ssub.s32 @!p0 s3, s2  }
0x2d: {  	s0 =	simm.s32 @!p1 $0x0;
	s1 =	simm.s32 @!p2 $0x0;
	s3 =	sadd.s32 @!p0 $0xFFFFFF80, s2  }
0x2e: {  	s4 =	smov.u32 s14;
	s0 =	smul.u32 @!p0 s0, s1;
	p1 =	sgt.s32 @!p0 s3, $0x7F  }
0x2f: {  	s1 =	ssub.s32 @!p0 $0x100, s2;
	s2 =	sadd.s32 $0x80, s12;
	p1 =	por !p1, p0  }
0x30: {  	s3 =	sadd.s32 $0x10, s14;
	s1 =	simm.s32 @!p1 $0x0;
	p1 =	sgt.s32 s2, $0xDF  }
0x31: {  	s0 =	smul.u32 @!p0 s1, s0;
	s4 =	smov.u32 @p1 s3  }
0x32: {  	s1 =	sadd.s32 $0x2, s15;
	s3 =	smov.u32 s15;
	p2 =	sgt.s32 s4, $0xDF  }
0x33: {  	s20 =	smov.u32 s17;
	s3 =	smov.u32 @p2 s1  }
0x34: {  	s17 =	smov.u32 s15;
	s2 =	simm.s32 @p1 $0x0;
	p1 =	sgt.s32 s3, $0x1  }
0x35: {  	s19 =	smov.u32 s11;
	s3 =	smov.u32 @p1 s6;
	p1 =	sne.s32 s16, s13  }
.Ltmp1:
0x36: {  	s11 =	smov.u32 s14;
	s18 =	smov.u32 s10;
	(pc) =	sbr.rel @!p1 .LBB1_15-.Ltmp1, $4  }
0x37: {  	s10 =	smov.u32 s12;
	s0 =	sand.u32 @!p0 $0x3FFFFFE0, s0;
	s1 =	simm.s32 @!p0 $0x2  }
0x38: {  	s12 =	smov.u32 s2;
	s4 =	smov.u32 @p2 s9;
	_ =	swait.ge @!p0 [sflag:s1], s0  }
0x39: {  	s0 =	ssub.s32 @!p0 $0x0, s0;
	s14 =	smov.u32 s4;
	[sflag:s1] =	ssyncset.done @!p0 $0x0  }
0x3a: {  	s16 =	sadd.s32 $0x1, s16;
	[sflag:s1] =	ssyncadd.s32 @!p0 s0;
	s15 =	smov.u32 s3  }
.LBB1_1:
0x3b: {  	p0 =	sge.u32 s16, s8;
	s2 =	smov.u32 s15;
	s4 =	smov.u32 s14  }
0x3c: {  	s31 =	sadd.s32 $0xFFFFFFFF, s16;
	s0 =	sand.u32 @!p0 $0x1FFFFFF, s12;
	p1 =	sgt.s32 @!p0 s15, $0x1  }
0x3d: {  	s3 =	sshra.s32 @!p0 s15, $0x1F;
	s5 =	sshra.s32 @!p0 s14, $0x1F;
	s1 =	smulhi.u32 @!p0 $0x2492493, s0  }
0x3e: {  	p1 =	por !p1, p0;
	s3 =	sand.u32 @!p0 s3, s15;
	s5 =	sand.u32 @!p0 s5, s14  }
0x3f: {  	s2 =	simm.s32 @p1 $0x1;
	p1 =	sgt.s32 @!p0 s14, $0xDF;
	s3 =	sxor.u32 @!p0 $0xFFFFFFFF, s3  }
0x40: {  	s1 =	sshrl.u32 @!p0 s1, $0x1;
	p1 =	por !p1, p0;
	s2 =	sadd.s32 @!p0 s3, s2  }
0x41: {  	s1 =	smul.u32 @!p0 $0xE0, s1;
	s4 =	simm.s32 @p1 $0xDF;
	p1 =	sgt.s32 @!p0 s12, $0x60  }
0x42: {  	p2 =	sgt.s32 @!p0 s2, $0x0;
	s2 =	sshll.u32 @!p0 s2, $0x7;
	s3 =	ssub.s32 @!p0 s4, s5  }
0x43: {  	p1 =	por !p1, p0;
	s4 =	smov.u32 s12;
	s5 =	sadd.s32 @!p0 $0xFFFFFF21, s3  }
0x44: {  	s4 =	simm.s32 @p1 $0x60;
	p1 =	sgt.s32 @!p0 s5, $0x0;
	s5 =	sshra.s32 @!p0 s12, $0x1F  }
0x45: {  	s2 =	ssub.s32 @!p0 $0x80, s2;
	p2 =	por !p2, p0;
	s5 =	sand.u32 @!p0 s5, s12  }
0x46: {  	s3 =	ssub.s32 @!p0 $0xE0, s3;
	p1 =	por !p1, p0;
	s4 =	ssub.s32 @!p0 s4, s5  }
0x47: {  	s2 =	simm.s32 @!p2 $0x0;
	s3 =	simm.s32 @!p1 $0x0;
	s5 =	sadd.s32 @!p0 $0xFFFFFFA0, s4  }
0x48: {  	s0 =	ssub.s32 @!p0 s0, s1;
	s2 =	smul.u32 @!p0 s3, s2;
	p1 =	sgt.s32 @!p0 s5, $0x7F  }
0x49: {  	s3 =	ssub.s32 @!p0 $0xE0, s4;
	s4 =	smul.u32 @!p0 $0xC4000, s15;
	p1 =	por !p1, p0  }
0x4a: {  	s1 =	smul.u32 @!p0 $0xE00, s14;
	s5 =	sxor.u32 @!p0 $0xFFFFFFFF, s16;
	s3 =	simm.s32 @!p1 $0x0  }
0x4b: {  	s5 =	sshll.u32 @!p0 s5, $0xE;
	s2 =	smul.u32 @!p0 s3, s2;
	s3 =	sadd.s32 @!p0 s7, s4  }
0x4c: {  	s0 =	sshll.u32 @!p0 s0, $0x4;
	s4 =	sand.u32 @!p0 $0x4000, s5;
	s1 =	sadd.s32 @!p0 s1, s3  }
0x4d: {  	s2 =	sand.u32 @!p0 $0x3FFFFF80, s2;
	s0 =	sadd.s32 @!p0 s0, s1;
	s1 =	simm.s32 @!p0 $0x0  }
0x4e: {  	[tilespmem:s4], [sflag:$0x1] =	stream.linear.gather @!p0 [hbm4b:s0+s1], s2, $0x38;
	[tilespmem:$0x10100] =	vst v63  }
0x4f: {  	p0 =	sge.u32 s31, s8  }
.Ltmp2:
0x50: {  	_ = 	snop;
	(pc) =	sbr.rel @p0 .LBB1_14-.Ltmp2, $1  }
0x51: {  	_ =	sdelay $0x3  }
0x52: {  	p0 =	sgt.s32 s17, $0x1  }
0x53: {  	s0 =	sshra.s32 s17, $0x1F;
	p1 =	sgt.s32 s11, $0xDF;
	s1 =	smov.u32 s11  }
0x54: {  	s2 =	sshra.s32 s11, $0x1F;
	s3 =	smov.u32 s17;
	s24 =	ssub.s32 $0x0, s10  }
0x55: {  	s25 =	sshra.s32 s10, $0x1F;
	p2 =	sgt.s32 s10, $0x60;
	s4 =	smov.u32 s10  }
0x56: {  	s0 =	sand.u32 s0, s17;
	s1 =	simm.s32 @!p1 $0xDF;
	s2 =	sand.u32 s2, s11  }
0x57: {  	s3 =	simm.s32 @!p0 $0x1;
	s0 =	sxor.u32 $0xFFFFFFFF, s0;
	s1 =	ssub.s32 s1, s2  }
0x58: {  	s4 =	simm.s32 @!p2 $0x60;
	s0 =	sadd.s32 s0, s3;
	s2 =	sadd.s32 $0xFFFFFF21, s1  }
0x59: {  	s1 =	ssub.s32 $0xE0, s1;
	p0 =	sgt.s32 s0, $0x0;
	s0 =	ssub.s32 $0x1, s0  }
0x5a: {  	p1 =	sgt.s32 s2, $0x0;
	s2 =	sand.u32 s24, s25;
	s0 =	simm.s32 @p0 $0x0  }
0x5b: {  	s1 =	simm.s32 @p1 $0x0;
	[dreg:$0xd] =	wrdreg s2;
	s2 =	sadd.s32 s2, s4  }
0x5c: {  	s26 =	smul.u32 s0, s1;
	s27 =	sadd.s32 $0xFFFFFFA0, s2  }
0x5d: {  	s0 =	ssub.s32 $0xE0, s2;
	s1 =	sadd.s32 $0x1, s17;
	p0 =	sgt.s32 s27, $0x7F  }
0x5e: {  	s2 =	sadd.s32 $0x1, s11;
	s0 =	simm.s32 @p0 $0x0;
	p0 =	slt.s32 s1, $0x2  }
0x5f: {  	s1 =	simm.s32 @!p0 $0x2;
	p0 =	slt.s32 s2, $0xE0  }
0x60: {  	s23 =	ssub.s32 s1, s17;
	s2 =	simm.s32 @!p0 $0xE0;
	s1 =	sadd.s32 $0x80, s10  }
0x61: {  	s24 =	ssub.s32 s2, s11;
	p1 =	slt.s32 s1, $0xE0;
	p0 =	slt.s32 s23, $0x1  }
0x62: {  	[dreg:$0xb] =	wrdreg s20;
	s1 =	simm.s32 @!p1 $0xE0;
	p1 =	slt.s32 @!p0 s24, $0x1  }
0x63: {  	[dreg:$0xa] =	wrdreg s19;
	s25 =	ssub.s32 s1, s10;
	p1 =	por p0, p1  }
0x64: {  	[dreg:$0x9] =	wrdreg s18;
	s0 =	smul.u32 s0, s26;
	p2 =	slt.s32 @!p1 s25, $0x1  }
0x65: {  	[dreg:$0x8] =	wrdreg s17;
	p1 =	por p1, p2  }
.Ltmp3:
0x66: {  	s29 =	simm.s32 $0x1;
	s0 =	sshll.u32 s0, $0x7;
	(pc) =	sbr.rel @p1 .LBB1_13-.Ltmp3, $4  }
0x67: {  	[dreg:$0xc] =	wrdreg s26;
	s28 =	sand.u32 $0x3FFFFF80, s0;
	s0 =	sand.u32 $0x1, s16  }
0x68: {  	_ =	swait.ge [sflag:s29], s28;
	s31 =	smul.u32 $0x4080, s0  }
0x69: {  	s30 =	ssub.s32 $0x0, s28;
	[sflag:s29] =	ssyncset.done $0x0  }
0x6a: {  	[sflag:s29] =	ssyncadd.s32 s30;
	[dreg:$0xe] =	wrdreg s31  }
.Ltmp4:
0x6b: {  	(pc) =	sbr.rel .LBB1_4-.Ltmp4, $3  }
0x6c: {  	_ =	sdelay $0x1  }
0x6d: {  	s26 =	sshll.u32 @!p0 s0, $0xE;
	s0 =	rddreg [dreg:$0xe]  }
0x6e: {  	s28 =	simm.s32 $0x0;
	s27 =	sor.u32 @!p0 $0x8000, s0  }
.LBB1_12:
0x6f: {  	s28 =	sadd.s32 $0x1, s28  }
0x70: {  	p0 =	sne.s32 s28, s23  }
.Ltmp5:
0x71: {  	_ = 	snop;
	(pc) =	sbr.rel @!p0 .LBB1_13-.Ltmp5, $1  }
0x72: {  	_ =	sdelay $0x3  }
.LBB1_4:
0x73: {  	s0 =	smul.u32 $0x10200, s28;
	_ =	sdelay $0x1  }
0x74: {  	s0 =	sshra.s32 s0, $0x2  }
0x75: {  	s29 =	sadd.s32 s0, s27  }
0x76: {  	s9 =	simm.s32 $0x0;
	s30 =	sadd.s32 $0x810, s29;
	s31 =	sadd.s32 $0x1020, s29  }
0x77: {  	s0 =	sadd.s32 $0x1830, s29;
	s1 =	sadd.s32 $0x2040, s29;
	s2 =	sadd.s32 $0x2850, s29  }
.LBB1_5:
0x78: {  	s3 =	sadd.s32 s28, s9  }
0x79: {  	s3 =	sshll.u32 s3, $0x10  }
0x7a: {  	s3 =	sshra.s32 s3, $0x2  }
0x7b: {  	s3 =	sadd.s32 s3, s26  }
0x7c: {  	v0 =	vmov s3;
	_ =	sdelay $0x2  }
0x7d: {  	s17 =	simm.s32 $0x0  }
0x7e: {  	p1 =	sne.s32 s25, $0x1;
	s21 =	sand.u32 $0x3F80, s17  }
.Ltmp6:
0x7f: {  	s22 =	sand.u32 $0x7, s9;
	v8 =	vld.idx.msk [tilespmem:v0+s21+$0x0 ss:$0x1], $0xffff;
	(pc) =	sbr.rel @!p1 .LBB1_6-.Ltmp6, $4  }
0x80: {  	s13 =	simm.s32 $0x1;
	s5 =	smul.u32 $0x81, s22;
	v9 =	vld.idx.msk [tilespmem:v0+s21+$0x10 ss:$0x1], $0xffff  }
0x81: {  	s18 =	simm.s32 $0x80;
	p0 =	por $0x0, $0x0;
	s17 =	sand.u32 $0x7F, s17;
	v10 =	vld.idx.msk [tilespmem:v0+s21+$0x20 ss:$0x1], $0xffff  }
0x82: {  	s6 =	sadd.s32 s5, s29;
	s7 =	sadd.s32 s5, s31;
	s8 =	sadd.s32 s5, s0;
	v11 =	vld.idx.msk [tilespmem:v0+s21+$0x30 ss:$0x1], $0xffff  }
0x83: {  	s4 =	sadd.s32 s5, s1;
	s3 =	sadd.s32 s5, s30;
	s5 =	sadd.s32 s5, s2;
	v7 =	vld.idx.msk [tilespmem:v0+s21+$0x40 ss:$0x1], $0xffff  }
0x84: {  	_ =	sdelay $0x3  }
0x85: {  	s20 =	sand.u32 $0x3F80, s18;
	s19 =	sadd.s32 s17, s6;
	v1 =	vld.idx.msk [tilespmem:v0+s21+$0x50 ss:$0x1], $0xffff;
	p1 =	sne.s32 s25, $0x2  }
.Ltmp7:
0x86: {  	s22 =	sadd.s32 s17, s3;
	v2 =	vld.idx.msk [tilespmem:v0+s20+$0x0 ss:$0x1], $0xffff;
	[tilespmem:s19+$0x0 ss:$0x81] =	vst.msk $0xffff, v8;
	(pc) =	sbr.rel @!p1 .LBB1_8-.Ltmp7, $4  }
0x87: {  	v3 =	vld.idx.msk [tilespmem:v0+s20+$0x10 ss:$0x1], $0xffff;
	[tilespmem:s22+$0x0 ss:$0x81] =	vst.msk $0xffff, v9;
	s19 =	sadd.s32 s17, s7  }
0x88: {  	v4 =	vld.idx.msk [tilespmem:v0+s20+$0x20 ss:$0x1], $0xffff;
	s22 =	sadd.s32 s17, s8;
	[tilespmem:s19+$0x0 ss:$0x81] =	vst.msk $0xffff, v10  }
0x89: {  	s21 =	simm.s32 $0x2;
	s18 =	sadd.s32 s17, s5;
	v5 =	vld.idx.msk [tilespmem:v0+s20+$0x30 ss:$0x1], $0xffff;
	s19 =	sadd.s32 s17, s4;
	[tilespmem:s22+$0x0 ss:$0x81] =	vst.msk $0xffff, v11  }
0x8a: {  	p0 =	por $0x1, $0x1;
	v6 =	vld.idx.msk [tilespmem:v0+s20+$0x40 ss:$0x1], $0xffff;
	s22 =	sand.u32 $0x7F, s13;
	s13 =	simm.s32 $0x100;
	[tilespmem:s19+$0x0 ss:$0x81] =	vst.msk $0xffff, v7  }
.LBB1_9:
0x8b: {  	s19 =	smov.u32 s21;
	s21 =	sadd.s32 $0x1, s21  }
0x8c: {  	s17 =	sadd.s32 s22, s6;
	[tilespmem:s18+$0x0 ss:$0x81] =	vst.msk $0xffff, v1;
	v1 =	vld.idx.msk [tilespmem:v0+s20+$0x50 ss:$0x1], $0xffff;
	s20 =	sand.u32 $0x3F80, s13;
	p1 =	sne.s32 s25, s21  }
.Ltmp8:
0x8d: {  	[tilespmem:s17+$0x0 ss:$0x81] =	vst.msk $0xffff, v2;
	v2 =	vld.idx.msk [tilespmem:v0+s20+$0x0 ss:$0x1], $0xffff;
	s17 =	sadd.s32 s22, s3;
	(pc) =	sbr.rel @p1 .LBB1_9-.Ltmp8, $4  }
0x8e: {  	[tilespmem:s17+$0x0 ss:$0x81] =	vst.msk $0xffff, v3;
	v3 =	vld.idx.msk [tilespmem:v0+s20+$0x10 ss:$0x1], $0xffff;
	s17 =	sadd.s32 s22, s7  }
0x8f: {  	[tilespmem:s17+$0x0 ss:$0x81] =	vst.msk $0xffff, v4;
	v4 =	vld.idx.msk [tilespmem:v0+s20+$0x20 ss:$0x1], $0xffff;
	s17 =	sadd.s32 s22, s8  }
0x90: {  	[tilespmem:s17+$0x0 ss:$0x81] =	vst.msk $0xffff, v5;
	v5 =	vld.idx.msk [tilespmem:v0+s20+$0x30 ss:$0x1], $0xffff;
	s17 =	sadd.s32 s22, s4  }
0x91: {  	s13 =	sadd.s32 $0x80, s13;
	s18 =	sadd.s32 s22, s5;
	s22 =	sand.u32 $0x7F, s19;
	[tilespmem:s17+$0x0 ss:$0x81] =	vst.msk $0xffff, v6;
	v6 =	vld.idx.msk [tilespmem:v0+s20+$0x40 ss:$0x1], $0xffff  }
0x92: {  	_ =	sdelay $0x3  }
0x93: {  	s17 =	smov.u32 s22;
	s21 =	smov.u32 s20;
	v8 =	vmovc v2;
	v9 =	vmovc v3;
	v10 =	vmov v4;
	v11 =	vmov v5;
	v7 =	vmov v6  }
.LBB1_11:
0x94: {  	_ =	sdelay $0x2  }
0x95: {  	s6 =	sadd.s32 s17, s6;
	[tilespmem:s18+$0x0 ss:$0x81] =	vst.msk @p0 $0xffff, v1;
	s9 =	sadd.s32 $0x1, s9  }
0x96: {  	v0 =	vld.idx.msk [tilespmem:v0+s21+$0x50 ss:$0x1], $0xffff;
	s3 =	sadd.s32 s17, s3;
	[tilespmem:s6+$0x0 ss:$0x81] =	vst.msk $0xffff, v8;
	p0 =	sne.s32 s9, s24  }
.Ltmp9:
0x97: {  	s19 =	sadd.s32 s17, s7;
	[tilespmem:s3+$0x0 ss:$0x81] =	vst.msk $0xffff, v9;
	(pc) =	sbr.rel @p0 .LBB1_5-.Ltmp9, $4  }
.Ltmp10:
0x98: {  	s20 =	sadd.s32 s17, s8;
	[tilespmem:s19+$0x0 ss:$0x81] =	vst.msk $0xffff, v10;
	(pc) =	sbr.rel @!p0 .LBB1_12-.Ltmp10, $4  }
0x99: {  	s21 =	sadd.s32 s17, s4;
	[tilespmem:s20+$0x0 ss:$0x81] =	vst.msk $0xffff, v11  }
0x9a: {  	s22 =	sadd.s32 s17, s5;
	[tilespmem:s21+$0x0 ss:$0x81] =	vst.msk $0xffff, v7  }
0x9b: {  	[tilespmem:s22+$0x0 ss:$0x81] =	vst.msk $0xffff, v0  }
0x9c: {  	_ = 	snop  }
.LBB1_6:
.Ltmp11:
0x9d: {  	(pc) =	sbr.rel .LBB1_11-.Ltmp11, $2  }
0x9e: {  	_ =	sdelay $0x2  }
0x9f: {  	_ = 	snop  }
.LBB1_8:
.Ltmp12:
0xa0: {  	_ = 	snop;
	(pc) =	sbr.rel .LBB1_11-.Ltmp12, $2  }
0xa1: {  	_ =	sdelay $0x2  }
0xa2: {  	s17 =	smov.u32 s22;
	s21 =	smov.u32 s20;
	v8 =	vmovc v2;
	v9 =	vmovc v3;
	v10 =	vmov v4;
	v11 =	vmov v5;
	v7 =	vmov v6  }
.LBB1_15:
0xa3: {  	_ =	sfence.sel $0x180000  }
0xa4: {  	s0 =	simm.s32 $0x1;
	[bflag:$0x0] =	sbarrier.arrive $0xFFFF  }
0xa5: {  	s30 =	simm.s32 $0x2;
	[sflag:s0] =	ssyncpa.u1 $0x1  }
0xa6: {  	[sflag:s30] =	ssyncpa.u1 $0x1  }
0xa7: {  	_ =	strace $0x9000004A  }
0xa8: {  	s31 =	stileid.u32;
	[bflag:$0x2] =	sbarrier.arrive $0xFFFF  }
0xa9: {  	p0 =	sne.s32 s31, $0x0;
	s0 =	rddreg [dreg:$0x2]  }
0xaa: {  	s0 =	sadd.s32 @!p0 $0x100000, s0  }
0xab: {  	[sflag:s0] =	ssyncadd.tile.s32 @!p0 $0x1;
	_ =	shalt  }
.Lfunc_end1:
_tile_overlayer_lowered:
.L_overlay_start_2:
0xac: {  	(tag) =	ssettag $0x2  }
0xad: {  	s0 =	rddreg [dreg:$0x0];
	s2 =	stileid.u32  }
0xae: {  	s1 =	rddreg [dreg:$0x1];
	p0 =	sne.s32 s2, $0x0  }
0xaf: {  	s3 =	rddreg [dreg:$0x2];
	[bflag:$0x3] =	sbarrier.arrive $0xFFFF;
	s2 =	simm.s32 @!p0 $0x1C01  }
0xb0: {  	[timem:s3], [sflag:s2] =	dma.local @!p0 [hbm:s0], s1  }
0xb1: {  	s0 =	simm.s32 @!p0 $0x1  }
0xb2: {  	_ =	swait.ge @!p0 [sflag:s0], s1  }
0xb3: {  	s1 =	ssub.s32 @!p0 $0x0, s1;
	[sflag:s0] =	ssyncset.done @!p0 $0x0  }
0xb4: {  	[sflag:s0] =	ssyncadd.s32 @!p0 s1  }
0xb5: {  	[bflag:$0x3] =	sbarrier.arrive $0xFFFF  }
0xb6: {  	_ =	shalt  }

</sc_bundles>
